<compile_context>
chip_gen: v7x
topology: tpu7x:2x2x1
jax: 0.10.2.dev20260603
libtpu: 0.0.44.dev20260713+nightly
codegen_flags: <defaults>
</compile_context>

<pallas_src>
import functools

import jax
import jax.numpy as jnp
from jax import lax
from jax.experimental import pallas as pl
from jax.experimental.pallas import tpu as pltpu
from jax.experimental.pallas import tpu_sc as plsc


def _c_table_body(T, E, K, S, TOK_W, ens_hbm, w_hbm, c_hbm,
                  ens_v, w_v, c_v):
    NC = 2
    wid = lax.axis_index("s") * NC + lax.axis_index("c")
    base = wid * TOK_W
    b = base // S
    s0 = base - b * S
    for k in range(K):
        off = (b * K + k) * S + s0
        pltpu.sync_copy(ens_hbm.at[pl.ds(off, TOK_W)],
                        ens_v.at[pl.ds(k * TOK_W, TOK_W)])
        pltpu.sync_copy(w_hbm.at[pl.ds(off, TOK_W)],
                        w_v.at[pl.ds(k * TOK_W, TOK_W)])
    for ef in range(E):
        col = jnp.zeros((TOK_W,), jnp.float32)
        for k in range(K):
            e = ens_v[pl.ds(k * TOK_W, TOK_W)]
            w = w_v[pl.ds(k * TOK_W, TOK_W)]
            col = col + jnp.where(e == ef, w, 0.0)
        c_v[pl.ds(ef * TOK_W, TOK_W)] = col
    pltpu.sync_copy(c_v, c_hbm.at[pl.ds(wid * E * TOK_W, E * TOK_W)])


def _routing_table_sc(ens_flat, w_flat, T, E, K, S):
    info = plsc.get_sparse_core_info()
    NW = info.num_cores * info.num_subcores
    TOK_W = T // NW
    mesh = plsc.VectorSubcoreMesh(core_axis_name="c", subcore_axis_name="s")
    kfn = pl.kernel(
        functools.partial(_c_table_body, T, E, K, S, TOK_W),
        out_type=jax.ShapeDtypeStruct((T * E,), jnp.float32),
        mesh=mesh,
        scratch_types=[
            pltpu.VMEM((K * TOK_W,), jnp.int32),
            pltpu.VMEM((K * TOK_W,), jnp.float32),
            pltpu.VMEM((E * TOK_W,), jnp.float32),
        ],
    )
    return kfn(ens_flat, w_flat), NW, TOK_W


def _ffe_body(c_ref, x_ref, k0_ref, k1_ref, o_ref):
    NW, E, TOK_W = c_ref.shape
    _, D, BKd = k1_ref.shape
    H = E * BKd
    T = NW * TOK_W

    c = jnp.transpose(c_ref[...], (0, 2, 1)).reshape(T, E)

    blk = lax.broadcasted_iota(jnp.int32, (E, H), 1) // BKd
    expand = jnp.where(lax.broadcasted_iota(jnp.int32, (E, H), 0) == blk,
                       1.0, 0.0)
    scale = jax.lax.dot_general(c, expand, (((1,), (0,)), ((), ())),
                                preferred_element_type=jnp.float32)

    h = jax.lax.dot_general(x_ref[...].astype(jnp.bfloat16),
                            k0_ref[...].astype(jnp.bfloat16),
                            (((1,), (1,)), ((), ())),
                            preferred_element_type=jnp.float32)
    h = jnp.maximum(h, 0.0) * scale

    k1t = jnp.transpose(k1_ref[...].astype(jnp.bfloat16),
                        (0, 2, 1)).reshape(H, D)
    o_ref[...] = jax.lax.dot_general(h.astype(jnp.bfloat16), k1t,
                                     (((1,), (0,)), ((), ())),
                                     preferred_element_type=jnp.float32)


def kernel(x, weights, ensembles, kernels_0, kernels_1):
    B, S, D = x.shape
    E, BK, _ = kernels_0.shape
    _, K, _ = weights.shape
    T = B * S

    c_flat, NW, TOK_W = _routing_table_sc(
        ensembles.astype(jnp.int32).reshape(-1),
        weights.reshape(-1), T, E, K, S)
    c3 = c_flat.reshape(NW, E, TOK_W)

    x2 = x.reshape(T, D)
    k0r = kernels_0.reshape(E * BK, D)

    out = pl.pallas_call(
        _ffe_body,
        out_shape=jax.ShapeDtypeStruct((T, D), jnp.float32),
    )(c3, x2, k0r, kernels_1)

    return out.reshape(B, S, D)

# --- scband reference (transcript-rebuilt; emitter-appended) ---
"""Pipeline reference for scband-feedforward-ensemble-61005715472699 (READ-ONLY COPY).

The authoritative reference and input builder live on the scoring server;
editing this copy changes nothing except your own understanding.
"""

import jax, jax.numpy as jnp
import numpy as np


def setup_inputs(seed: int = 0) -> dict:
    key = jax.random.key(seed)
    k1, k2, k3, k4, k5 = jax.random.split(key, 5)
    B, S, D = 2, 256, 768
    E, BK, K = 16, 64, 2
    x = jax.random.normal(k1, (B, S, D), dtype=jnp.float32)
    weights = jax.random.uniform(k2, (B, K, S), dtype=jnp.float32)
    ensembles = jax.random.randint(k3, (B, K, S), 0, E)
    # xavier_uniform init for the expert kernels (learned params)
    scale = (6.0 / (BK + D)) ** 0.5
    kernels_0 = jax.random.uniform(k4, (E, BK, D), minval=-scale, maxval=scale, dtype=jnp.float32)
    kernels_1 = jax.random.uniform(k5, (E, D, BK), minval=-scale, maxval=scale, dtype=jnp.float32)
    return {"x": x, "weights": weights, "ensembles": ensembles,
            "kernels_0": kernels_0, "kernels_1": kernels_1}


def reference(x, weights, ensembles, kernels_0, kernels_1):
    # matrix1 = kernels[0][ensembles, ...] ; matrix2 = kernels[1][ensembles, ...]
    m1 = jnp.take(kernels_0, ensembles, axis=0)   # (B, K, S, BK, D)
    m2 = jnp.take(kernels_1, ensembles, axis=0)   # (B, K, S, D, BK)
    # x.unsqueeze(1).unsqueeze(-1) -> (B, 1, S, D, 1)
    xe = x[:, None, :, :, None]
    h = jnp.matmul(m1, xe)                        # (B, K, S, BK, 1)
    h = jax.nn.relu(h)
    # dropout is identity in eval / rate 0.0
    y = jnp.matmul(m2, h)                         # (B, K, S, D, 1)
    y = jnp.squeeze(y, -1)                        # (B, K, S, D)
    w = weights[..., None]                        # (B, K, S, 1)
    return jnp.sum(y * w, axis=1)                 # (B, S, D)

if __name__ == "__main__":
    import jax
    _d = setup_inputs()
    print(jax.jit(kernel)(*tuple(_d.values())))

</pallas_src>

<mosaic_0001>
#map = affine_map<(d0, d1) -> (0)>
module attributes {stable_mosaic.version = 14 : i64} {
  func.func @_c_table_body(%arg0: i32, %arg1: i32, %arg2: memref<1024xi32, #tpu.memory_space<hbm>>, %arg3: memref<1024xf32, #tpu.memory_space<hbm>>, %arg4: memref<8192xf32, #tpu.memory_space<hbm>>, %arg5: memref<32xi32, #tpu.memory_space<vmem>>, %arg6: memref<32xf32, #tpu.memory_space<vmem>>, %arg7: memref<256xf32, #tpu.memory_space<vmem>>) attributes {dimension_semantics = [#tpu.dimension_semantics<core_parallel>, #tpu.dimension_semantics<subcore_parallel>], iteration_bounds = array<i64: 2, 16>, scalar_prefetch = 0 : i64, scratch_operands = 3 : i64, tpu.core_type = #tpu.core_type<sc_vector_subcore>, window_params = [{transform_indices = #map}, {transform_indices = #map}, {transform_indices = #map}]} {
    %mul3A = arith.constant 2 : i32
    %mul3A_0 = arith.muli %arg1, %mul3A : i32
    %add3A = arith.addi %mul3A_0, %arg0 : i32
    %mul3A_1 = arith.constant 16 : i32
    %mul3A_2 = arith.muli %add3A, %mul3A_1 : i32
    %jit3A = arith.constant 256 : i32
    %div3A = arith.divsi %mul3A_2, %jit3A : i32
    %sign3A = arith.constant 0 : i32
    %sign3A_3 = arith.cmpi sgt, %mul3A_2, %sign3A : i32
    %sign3A_4 = arith.extui %sign3A_3 : i1 to i32
    %sign3A_5 = arith.constant 0 : i32
    %sign3A_6 = arith.cmpi slt, %mul3A_2, %sign3A_5 : i32
    %sign3A_7 = arith.extui %sign3A_6 : i1 to i32
    %sign3A_8 = arith.subi %sign3A_4, %sign3A_7 : i32
    %sign3A_9 = arith.constant 0 : i32
    %sign3A_10 = arith.cmpi sgt, %jit3A, %sign3A_9 : i32
    %sign3A_11 = arith.extui %sign3A_10 : i1 to i32
    %sign3A_12 = arith.constant 0 : i32
    %sign3A_13 = arith.cmpi slt, %jit3A, %sign3A_12 : i32
    %sign3A_14 = arith.extui %sign3A_13 : i1 to i32
    %sign3A_15 = arith.subi %sign3A_11, %sign3A_14 : i32
    %ne3A = arith.cmpi ne, %sign3A_8, %sign3A_15 : i32
    %rem3A = arith.remsi %mul3A_2, %jit3A : i32
    %ne3A_16 = arith.constant 0 : i32
    %ne3A_17 = arith.cmpi ne, %rem3A, %ne3A_16 : i32
    %and3A = arith.andi %ne3A, %ne3A_17 : i1
    %sub3A = arith.constant 1 : i32
    %sub3A_18 = arith.subi %div3A, %sub3A : i32
    %select_n3A = arith.select %and3A, %sub3A_18, %div3A : i32
    %mul3A_19 = arith.constant 256 : i32
    %mul3A_20 = arith.muli %select_n3A, %mul3A_19 : i32
    %sub3A_21 = arith.subi %mul3A_2, %mul3A_20 : i32
    %mul3A_22 = arith.constant 2 : i32
    %mul3A_23 = arith.muli %select_n3A, %mul3A_22 : i32
    %add3A_24 = arith.constant 0 : i32
    %add3A_25 = arith.addi %mul3A_23, %add3A_24 : i32
    %mul3A_26 = arith.constant 256 : i32
    %mul3A_27 = arith.muli %add3A_25, %mul3A_26 : i32
    %add3A_28 = arith.addi %mul3A_27, %sub3A_21 : i32
    "tpu.region"() ({
      %run_scoped3A = tpu.sem_alloc : memref<!tpu.dma_semaphore, #tpu.memory_space<semaphore_mem>>
      %dma_start3A = arith.constant 0 : i32
      %dma_start3A_548 = tpu.memref_slice %arg5[%dma_start3A] : memref<32xi32, #tpu.memory_space<vmem>> -> memref<16xi32, #tpu.memory_space<vmem>>
      %dma_start3A_549 = tpu.memref_slice %arg2[%add3A_28] : memref<1024xi32, #tpu.memory_space<hbm>> -> memref<16xi32, #tpu.memory_space<hbm>>
      %dma_start3A_550 = arith.constant 0 : i32
      %dma_start3A_551 = tpu.memref_slice %arg5[%dma_start3A_550] : memref<32xi32, #tpu.memory_space<vmem>> -> memref<16xi32, #tpu.memory_space<vmem>>
      %dma_start3A_552 = tpu.memref_slice %arg2[%add3A_28] : memref<1024xi32, #tpu.memory_space<hbm>> -> memref<16xi32, #tpu.memory_space<hbm>>
      tpu.enqueue_dma source(%dma_start3A_552 : memref<16xi32, #tpu.memory_space<hbm>>) target(%dma_start3A_551 : memref<16xi32, #tpu.memory_space<vmem>>) target_semaphore(%run_scoped3A : memref<!tpu.dma_semaphore, #tpu.memory_space<semaphore_mem>>)
      %dma_wait3A = arith.constant 0 : i32
      %dma_wait3A_553 = tpu.memref_slice %arg5[%dma_wait3A] : memref<32xi32, #tpu.memory_space<vmem>> -> memref<16xi32, #tpu.memory_space<vmem>>
      %dma_wait3A_554 = tpu.memref_slice %arg2[%add3A_28] : memref<1024xi32, #tpu.memory_space<hbm>> -> memref<16xi32, #tpu.memory_space<hbm>>
      %dma_wait3A_555 = arith.constant 0 : i32
      %dma_wait3A_556 = tpu.memref_slice %arg5[%dma_wait3A_555] : memref<32xi32, #tpu.memory_space<vmem>> -> memref<16xi32, #tpu.memory_space<vmem>>
      %dma_wait3A_557 = tpu.memref_slice %arg2[%add3A_28] : memref<1024xi32, #tpu.memory_space<hbm>> -> memref<16xi32, #tpu.memory_space<hbm>>
      tpu.wait_dma2 semaphore(%run_scoped3A : memref<!tpu.dma_semaphore, #tpu.memory_space<semaphore_mem>>) src(%dma_wait3A_557 : memref<16xi32, #tpu.memory_space<hbm>>) dst(%dma_wait3A_556 : memref<16xi32, #tpu.memory_space<vmem>>)
      tpu.yield
    }) : () -> ()
    "tpu.region"() ({
      %run_scoped3A = tpu.sem_alloc : memref<!tpu.dma_semaphore, #tpu.memory_space<semaphore_mem>>
      %dma_start3A = arith.constant 0 : i32
      %dma_start3A_548 = tpu.memref_slice %arg6[%dma_start3A] : memref<32xf32, #tpu.memory_space<vmem>> -> memref<16xf32, #tpu.memory_space<vmem>>
      %dma_start3A_549 = tpu.memref_slice %arg3[%add3A_28] : memref<1024xf32, #tpu.memory_space<hbm>> -> memref<16xf32, #tpu.memory_space<hbm>>
      %dma_start3A_550 = arith.constant 0 : i32
      %dma_start3A_551 = tpu.memref_slice %arg6[%dma_start3A_550] : memref<32xf32, #tpu.memory_space<vmem>> -> memref<16xf32, #tpu.memory_space<vmem>>
      %dma_start3A_552 = tpu.memref_slice %arg3[%add3A_28] : memref<1024xf32, #tpu.memory_space<hbm>> -> memref<16xf32, #tpu.memory_space<hbm>>
      tpu.enqueue_dma source(%dma_start3A_552 : memref<16xf32, #tpu.memory_space<hbm>>) target(%dma_start3A_551 : memref<16xf32, #tpu.memory_space<vmem>>) target_semaphore(%run_scoped3A : memref<!tpu.dma_semaphore, #tpu.memory_space<semaphore_mem>>)
      %dma_wait3A = arith.constant 0 : i32
      %dma_wait3A_553 = tpu.memref_slice %arg6[%dma_wait3A] : memref<32xf32, #tpu.memory_space<vmem>> -> memref<16xf32, #tpu.memory_space<vmem>>
      %dma_wait3A_554 = tpu.memref_slice %arg3[%add3A_28] : memref<1024xf32, #tpu.memory_space<hbm>> -> memref<16xf32, #tpu.memory_space<hbm>>
      %dma_wait3A_555 = arith.constant 0 : i32
      %dma_wait3A_556 = tpu.memref_slice %arg6[%dma_wait3A_555] : memref<32xf32, #tpu.memory_space<vmem>> -> memref<16xf32, #tpu.memory_space<vmem>>
      %dma_wait3A_557 = tpu.memref_slice %arg3[%add3A_28] : memref<1024xf32, #tpu.memory_space<hbm>> -> memref<16xf32, #tpu.memory_space<hbm>>
      tpu.wait_dma2 semaphore(%run_scoped3A : memref<!tpu.dma_semaphore, #tpu.memory_space<semaphore_mem>>) src(%dma_wait3A_557 : memref<16xf32, #tpu.memory_space<hbm>>) dst(%dma_wait3A_556 : memref<16xf32, #tpu.memory_space<vmem>>)
      tpu.yield
    }) : () -> ()
    %mul3A_29 = arith.constant 2 : i32
    %mul3A_30 = arith.muli %select_n3A, %mul3A_29 : i32
    %add3A_31 = arith.constant 1 : i32
    %add3A_32 = arith.addi %mul3A_30, %add3A_31 : i32
    %mul3A_33 = arith.constant 256 : i32
    %mul3A_34 = arith.muli %add3A_32, %mul3A_33 : i32
    %add3A_35 = arith.addi %mul3A_34, %sub3A_21 : i32
    "tpu.region"() ({
      %run_scoped3A = tpu.sem_alloc : memref<!tpu.dma_semaphore, #tpu.memory_space<semaphore_mem>>
      %dma_start3A = arith.constant 16 : i32
      %dma_start3A_548 = tpu.memref_slice %arg5[%dma_start3A] : memref<32xi32, #tpu.memory_space<vmem>> -> memref<16xi32, #tpu.memory_space<vmem>>
      %dma_start3A_549 = tpu.memref_slice %arg2[%add3A_35] : memref<1024xi32, #tpu.memory_space<hbm>> -> memref<16xi32, #tpu.memory_space<hbm>>
      %dma_start3A_550 = arith.constant 16 : i32
      %dma_start3A_551 = tpu.memref_slice %arg5[%dma_start3A_550] : memref<32xi32, #tpu.memory_space<vmem>> -> memref<16xi32, #tpu.memory_space<vmem>>
      %dma_start3A_552 = tpu.memref_slice %arg2[%add3A_35] : memref<1024xi32, #tpu.memory_space<hbm>> -> memref<16xi32, #tpu.memory_space<hbm>>
      tpu.enqueue_dma source(%dma_start3A_552 : memref<16xi32, #tpu.memory_space<hbm>>) target(%dma_start3A_551 : memref<16xi32, #tpu.memory_space<vmem>>) target_semaphore(%run_scoped3A : memref<!tpu.dma_semaphore, #tpu.memory_space<semaphore_mem>>)
      %dma_wait3A = arith.constant 16 : i32
      %dma_wait3A_553 = tpu.memref_slice %arg5[%dma_wait3A] : memref<32xi32, #tpu.memory_space<vmem>> -> memref<16xi32, #tpu.memory_space<vmem>>
      %dma_wait3A_554 = tpu.memref_slice %arg2[%add3A_35] : memref<1024xi32, #tpu.memory_space<hbm>> -> memref<16xi32, #tpu.memory_space<hbm>>
      %dma_wait3A_555 = arith.constant 16 : i32
      %dma_wait3A_556 = tpu.memref_slice %arg5[%dma_wait3A_555] : memref<32xi32, #tpu.memory_space<vmem>> -> memref<16xi32, #tpu.memory_space<vmem>>
      %dma_wait3A_557 = tpu.memref_slice %arg2[%add3A_35] : memref<1024xi32, #tpu.memory_space<hbm>> -> memref<16xi32, #tpu.memory_space<hbm>>
      tpu.wait_dma2 semaphore(%run_scoped3A : memref<!tpu.dma_semaphore, #tpu.memory_space<semaphore_mem>>) src(%dma_wait3A_557 : memref<16xi32, #tpu.memory_space<hbm>>) dst(%dma_wait3A_556 : memref<16xi32, #tpu.memory_space<vmem>>)
      tpu.yield
    }) : () -> ()
    "tpu.region"() ({
      %run_scoped3A = tpu.sem_alloc : memref<!tpu.dma_semaphore, #tpu.memory_space<semaphore_mem>>
      %dma_start3A = arith.constant 16 : i32
      %dma_start3A_548 = tpu.memref_slice %arg6[%dma_start3A] : memref<32xf32, #tpu.memory_space<vmem>> -> memref<16xf32, #tpu.memory_space<vmem>>
      %dma_start3A_549 = tpu.memref_slice %arg3[%add3A_35] : memref<1024xf32, #tpu.memory_space<hbm>> -> memref<16xf32, #tpu.memory_space<hbm>>
      %dma_start3A_550 = arith.constant 16 : i32
      %dma_start3A_551 = tpu.memref_slice %arg6[%dma_start3A_550] : memref<32xf32, #tpu.memory_space<vmem>> -> memref<16xf32, #tpu.memory_space<vmem>>
      %dma_start3A_552 = tpu.memref_slice %arg3[%add3A_35] : memref<1024xf32, #tpu.memory_space<hbm>> -> memref<16xf32, #tpu.memory_space<hbm>>
      tpu.enqueue_dma source(%dma_start3A_552 : memref<16xf32, #tpu.memory_space<hbm>>) target(%dma_start3A_551 : memref<16xf32, #tpu.memory_space<vmem>>) target_semaphore(%run_scoped3A : memref<!tpu.dma_semaphore, #tpu.memory_space<semaphore_mem>>)
      %dma_wait3A = arith.constant 16 : i32
      %dma_wait3A_553 = tpu.memref_slice %arg6[%dma_wait3A] : memref<32xf32, #tpu.memory_space<vmem>> -> memref<16xf32, #tpu.memory_space<vmem>>
      %dma_wait3A_554 = tpu.memref_slice %arg3[%add3A_35] : memref<1024xf32, #tpu.memory_space<hbm>> -> memref<16xf32, #tpu.memory_space<hbm>>
      %dma_wait3A_555 = arith.constant 16 : i32
      %dma_wait3A_556 = tpu.memref_slice %arg6[%dma_wait3A_555] : memref<32xf32, #tpu.memory_space<vmem>> -> memref<16xf32, #tpu.memory_space<vmem>>
      %dma_wait3A_557 = tpu.memref_slice %arg3[%add3A_35] : memref<1024xf32, #tpu.memory_space<hbm>> -> memref<16xf32, #tpu.memory_space<hbm>>
      tpu.wait_dma2 semaphore(%run_scoped3A : memref<!tpu.dma_semaphore, #tpu.memory_space<semaphore_mem>>) src(%dma_wait3A_557 : memref<16xf32, #tpu.memory_space<hbm>>) dst(%dma_wait3A_556 : memref<16xf32, #tpu.memory_space<vmem>>)
      tpu.yield
    }) : () -> ()
    %broadcast_in_dim3A = arith.constant 0.000000e+00 : f32
    %broadcast_in_dim3A_36 = vector.broadcast %broadcast_in_dim3A : f32 to vector<16xf32>
    %get3A = arith.constant 0 : index
    %get3A_37 = tpu.vector_load %arg5[%get3A] {strides = array<i32>} : memref<32xi32, #tpu.memory_space<vmem>>, vector<16xi32>,
    %get3A_38 = vector.shape_cast %get3A_37 : vector<16xi32> to vector<16xi32>
    %get3A_39 = arith.constant 0 : index
    %get3A_40 = tpu.vector_load %arg6[%get3A_39] {strides = array<i32>} : memref<32xf32, #tpu.memory_space<vmem>>, vector<16xf32>,
    %get3A_41 = vector.shape_cast %get3A_40 : vector<16xf32> to vector<16xf32>
    %eq3A = arith.constant 0 : i32
    %eq3A_42 = vector.broadcast %eq3A : i32 to vector<16xi32>
    %eq3A_43 = arith.cmpi eq, %get3A_38, %eq3A_42 : vector<16xi32>
    %jit3A_44 = arith.constant 0.000000e+00 : f32
    %broadcast_in_dim3A_45 = vector.broadcast %jit3A_44 : f32 to vector<16xf32>
    %select_n3A_46 = arith.select %eq3A_43, %get3A_41, %broadcast_in_dim3A_45 : vector<16xi1>, vector<16xf32>
    %add3A_47 = arith.addf %broadcast_in_dim3A_36, %select_n3A_46 : vector<16xf32>
    %get3A_48 = arith.constant 16 : index
    %get3A_49 = tpu.vector_load %arg5[%get3A_48] {strides = array<i32>} : memref<32xi32, #tpu.memory_space<vmem>>, vector<16xi32>,
    %get3A_50 = vector.shape_cast %get3A_49 : vector<16xi32> to vector<16xi32>
    %get3A_51 = arith.constant 16 : index
    %get3A_52 = tpu.vector_load %arg6[%get3A_51] {strides = array<i32>} : memref<32xf32, #tpu.memory_space<vmem>>, vector<16xf32>,
    %get3A_53 = vector.shape_cast %get3A_52 : vector<16xf32> to vector<16xf32>
    %eq3A_54 = arith.constant 0 : i32
    %eq3A_55 = vector.broadcast %eq3A_54 : i32 to vector<16xi32>
    %eq3A_56 = arith.cmpi eq, %get3A_50, %eq3A_55 : vector<16xi32>
    %jit3A_57 = arith.constant 0.000000e+00 : f32
    %broadcast_in_dim3A_58 = vector.broadcast %jit3A_57 : f32 to vector<16xf32>
    %select_n3A_59 = arith.select %eq3A_56, %get3A_53, %broadcast_in_dim3A_58 : vector<16xi1>, vector<16xf32>
    %add3A_60 = arith.addf %add3A_47, %select_n3A_59 : vector<16xf32>
    %swap3A = arith.constant 0 : index
    %swap3A_61 = tpu.vector_load %arg7[%swap3A] {strides = array<i32>} : memref<256xf32, #tpu.memory_space<vmem>>, vector<16xf32>,
    %swap3A_62 = vector.shape_cast %swap3A_61 : vector<16xf32> to vector<16xf32>
    %swap3A_63 = vector.shape_cast %add3A_60 : vector<16xf32> to vector<16xf32>
    tpu.vector_store %arg7[%swap3A], %swap3A_63 {strides = array<i32>} : memref<256xf32, #tpu.memory_space<vmem>>, vector<16xf32>,
    %broadcast_in_dim3A_64 = arith.constant 0.000000e+00 : f32
    %broadcast_in_dim3A_65 = vector.broadcast %broadcast_in_dim3A_64 : f32 to vector<16xf32>
    %get3A_66 = arith.constant 0 : index
    %get3A_67 = tpu.vector_load %arg5[%get3A_66] {strides = array<i32>} : memref<32xi32, #tpu.memory_space<vmem>>, vector<16xi32>,
    %get3A_68 = vector.shape_cast %get3A_67 : vector<16xi32> to vector<16xi32>
    %get3A_69 = arith.constant 0 : index
    %get3A_70 = tpu.vector_load %arg6[%get3A_69] {strides = array<i32>} : memref<32xf32, #tpu.memory_space<vmem>>, vector<16xf32>,
    %get3A_71 = vector.shape_cast %get3A_70 : vector<16xf32> to vector<16xf32>
    %eq3A_72 = arith.constant 1 : i32
    %eq3A_73 = vector.broadcast %eq3A_72 : i32 to vector<16xi32>
    %eq3A_74 = arith.cmpi eq, %get3A_68, %eq3A_73 : vector<16xi32>
    %jit3A_75 = arith.constant 0.000000e+00 : f32
    %broadcast_in_dim3A_76 = vector.broadcast %jit3A_75 : f32 to vector<16xf32>
    %select_n3A_77 = arith.select %eq3A_74, %get3A_71, %broadcast_in_dim3A_76 : vector<16xi1>, vector<16xf32>
    %add3A_78 = arith.addf %broadcast_in_dim3A_65, %select_n3A_77 : vector<16xf32>
    %get3A_79 = arith.constant 16 : index
    %get3A_80 = tpu.vector_load %arg5[%get3A_79] {strides = array<i32>} : memref<32xi32, #tpu.memory_space<vmem>>, vector<16xi32>,
    %get3A_81 = vector.shape_cast %get3A_80 : vector<16xi32> to vector<16xi32>
    %get3A_82 = arith.constant 16 : index
    %get3A_83 = tpu.vector_load %arg6[%get3A_82] {strides = array<i32>} : memref<32xf32, #tpu.memory_space<vmem>>, vector<16xf32>,
    %get3A_84 = vector.shape_cast %get3A_83 : vector<16xf32> to vector<16xf32>
    %eq3A_85 = arith.constant 1 : i32
    %eq3A_86 = vector.broadcast %eq3A_85 : i32 to vector<16xi32>
    %eq3A_87 = arith.cmpi eq, %get3A_81, %eq3A_86 : vector<16xi32>
    %jit3A_88 = arith.constant 0.000000e+00 : f32
    %broadcast_in_dim3A_89 = vector.broadcast %jit3A_88 : f32 to vector<16xf32>
    %select_n3A_90 = arith.select %eq3A_87, %get3A_84, %broadcast_in_dim3A_89 : vector<16xi1>, vector<16xf32>
    %add3A_91 = arith.addf %add3A_78, %select_n3A_90 : vector<16xf32>
    %swap3A_92 = arith.constant 16 : index
    %swap3A_93 = tpu.vector_load %arg7[%swap3A_92] {strides = array<i32>} : memref<256xf32, #tpu.memory_space<vmem>>, vector<16xf32>,
    %swap3A_94 = vector.shape_cast %swap3A_93 : vector<16xf32> to vector<16xf32>
    %swap3A_95 = vector.shape_cast %add3A_91 : vector<16xf32> to vector<16xf32>
    tpu.vector_store %arg7[%swap3A_92], %swap3A_95 {strides = array<i32>} : memref<256xf32, #tpu.memory_space<vmem>>, vector<16xf32>,
    %broadcast_in_dim3A_96 = arith.constant 0.000000e+00 : f32
    %broadcast_in_dim3A_97 = vector.broadcast %broadcast_in_dim3A_96 : f32 to vector<16xf32>
    %get3A_98 = arith.constant 0 : index
    %get3A_99 = tpu.vector_load %arg5[%get3A_98] {strides = array<i32>} : memref<32xi32, #tpu.memory_space<vmem>>, vector<16xi32>,
    %get3A_100 = vector.shape_cast %get3A_99 : vector<16xi32> to vector<16xi32>
    %get3A_101 = arith.constant 0 : index
    %get3A_102 = tpu.vector_load %arg6[%get3A_101] {strides = array<i32>} : memref<32xf32, #tpu.memory_space<vmem>>, vector<16xf32>,
    %get3A_103 = vector.shape_cast %get3A_102 : vector<16xf32> to vector<16xf32>
    %eq3A_104 = arith.constant 2 : i32
    %eq3A_105 = vector.broadcast %eq3A_104 : i32 to vector<16xi32>
    %eq3A_106 = arith.cmpi eq, %get3A_100, %eq3A_105 : vector<16xi32>
    %jit3A_107 = arith.constant 0.000000e+00 : f32
    %broadcast_in_dim3A_108 = vector.broadcast %jit3A_107 : f32 to vector<16xf32>
    %select_n3A_109 = arith.select %eq3A_106, %get3A_103, %broadcast_in_dim3A_108 : vector<16xi1>, vector<16xf32>
    %add3A_110 = arith.addf %broadcast_in_dim3A_97, %select_n3A_109 : vector<16xf32>
    %get3A_111 = arith.constant 16 : index
    %get3A_112 = tpu.vector_load %arg5[%get3A_111] {strides = array<i32>} : memref<32xi32, #tpu.memory_space<vmem>>, vector<16xi32>,
    %get3A_113 = vector.shape_cast %get3A_112 : vector<16xi32> to vector<16xi32>
    %get3A_114 = arith.constant 16 : index
    %get3A_115 = tpu.vector_load %arg6[%get3A_114] {strides = array<i32>} : memref<32xf32, #tpu.memory_space<vmem>>, vector<16xf32>,
    %get3A_116 = vector.shape_cast %get3A_115 : vector<16xf32> to vector<16xf32>
    %eq3A_117 = arith.constant 2 : i32
    %eq3A_118 = vector.broadcast %eq3A_117 : i32 to vector<16xi32>
    %eq3A_119 = arith.cmpi eq, %get3A_113, %eq3A_118 : vector<16xi32>
    %jit3A_120 = arith.constant 0.000000e+00 : f32
    %broadcast_in_dim3A_121 = vector.broadcast %jit3A_120 : f32 to vector<16xf32>
    %select_n3A_122 = arith.select %eq3A_119, %get3A_116, %broadcast_in_dim3A_121 : vector<16xi1>, vector<16xf32>
    %add3A_123 = arith.addf %add3A_110, %select_n3A_122 : vector<16xf32>
    %swap3A_124 = arith.constant 32 : index
    %swap3A_125 = tpu.vector_load %arg7[%swap3A_124] {strides = array<i32>} : memref<256xf32, #tpu.memory_space<vmem>>, vector<16xf32>,
    %swap3A_126 = vector.shape_cast %swap3A_125 : vector<16xf32> to vector<16xf32>
    %swap3A_127 = vector.shape_cast %add3A_123 : vector<16xf32> to vector<16xf32>
    tpu.vector_store %arg7[%swap3A_124], %swap3A_127 {strides = array<i32>} : memref<256xf32, #tpu.memory_space<vmem>>, vector<16xf32>,
    %broadcast_in_dim3A_128 = arith.constant 0.000000e+00 : f32
    %broadcast_in_dim3A_129 = vector.broadcast %broadcast_in_dim3A_128 : f32 to vector<16xf32>
    %get3A_130 = arith.constant 0 : index
    %get3A_131 = tpu.vector_load %arg5[%get3A_130] {strides = array<i32>} : memref<32xi32, #tpu.memory_space<vmem>>, vector<16xi32>,
    %get3A_132 = vector.shape_cast %get3A_131 : vector<16xi32> to vector<16xi32>
    %get3A_133 = arith.constant 0 : index
    %get3A_134 = tpu.vector_load %arg6[%get3A_133] {strides = array<i32>} : memref<32xf32, #tpu.memory_space<vmem>>, vector<16xf32>,
    %get3A_135 = vector.shape_cast %get3A_134 : vector<16xf32> to vector<16xf32>
    %eq3A_136 = arith.constant 3 : i32
    %eq3A_137 = vector.broadcast %eq3A_136 : i32 to vector<16xi32>
    %eq3A_138 = arith.cmpi eq, %get3A_132, %eq3A_137 : vector<16xi32>
    %jit3A_139 = arith.constant 0.000000e+00 : f32
    %broadcast_in_dim3A_140 = vector.broadcast %jit3A_139 : f32 to vector<16xf32>
    %select_n3A_141 = arith.select %eq3A_138, %get3A_135, %broadcast_in_dim3A_140 : vector<16xi1>, vector<16xf32>
    %add3A_142 = arith.addf %broadcast_in_dim3A_129, %select_n3A_141 : vector<16xf32>
    %get3A_143 = arith.constant 16 : index
    %get3A_144 = tpu.vector_load %arg5[%get3A_143] {strides = array<i32>} : memref<32xi32, #tpu.memory_space<vmem>>, vector<16xi32>,
    %get3A_145 = vector.shape_cast %get3A_144 : vector<16xi32> to vector<16xi32>
    %get3A_146 = arith.constant 16 : index
    %get3A_147 = tpu.vector_load %arg6[%get3A_146] {strides = array<i32>} : memref<32xf32, #tpu.memory_space<vmem>>, vector<16xf32>,
    %get3A_148 = vector.shape_cast %get3A_147 : vector<16xf32> to vector<16xf32>
    %eq3A_149 = arith.constant 3 : i32
    %eq3A_150 = vector.broadcast %eq3A_149 : i32 to vector<16xi32>
    %eq3A_151 = arith.cmpi eq, %get3A_145, %eq3A_150 : vector<16xi32>
    %jit3A_152 = arith.constant 0.000000e+00 : f32
    %broadcast_in_dim3A_153 = vector.broadcast %jit3A_152 : f32 to vector<16xf32>
    %select_n3A_154 = arith.select %eq3A_151, %get3A_148, %broadcast_in_dim3A_153 : vector<16xi1>, vector<16xf32>
    %add3A_155 = arith.addf %add3A_142, %select_n3A_154 : vector<16xf32>
    %swap3A_156 = arith.constant 48 : index
    %swap3A_157 = tpu.vector_load %arg7[%swap3A_156] {strides = array<i32>} : memref<256xf32, #tpu.memory_space<vmem>>, vector<16xf32>,
    %swap3A_158 = vector.shape_cast %swap3A_157 : vector<16xf32> to vector<16xf32>
    %swap3A_159 = vector.shape_cast %add3A_155 : vector<16xf32> to vector<16xf32>
    tpu.vector_store %arg7[%swap3A_156], %swap3A_159 {strides = array<i32>} : memref<256xf32, #tpu.memory_space<vmem>>, vector<16xf32>,
    %broadcast_in_dim3A_160 = arith.constant 0.000000e+00 : f32
    %broadcast_in_dim3A_161 = vector.broadcast %broadcast_in_dim3A_160 : f32 to vector<16xf32>
    %get3A_162 = arith.constant 0 : index
    %get3A_163 = tpu.vector_load %arg5[%get3A_162] {strides = array<i32>} : memref<32xi32, #tpu.memory_space<vmem>>, vector<16xi32>,
    %get3A_164 = vector.shape_cast %get3A_163 : vector<16xi32> to vector<16xi32>
    %get3A_165 = arith.constant 0 : index
    %get3A_166 = tpu.vector_load %arg6[%get3A_165] {strides = array<i32>} : memref<32xf32, #tpu.memory_space<vmem>>, vector<16xf32>,
    %get3A_167 = vector.shape_cast %get3A_166 : vector<16xf32> to vector<16xf32>
    %eq3A_168 = arith.constant 4 : i32
    %eq3A_169 = vector.broadcast %eq3A_168 : i32 to vector<16xi32>
    %eq3A_170 = arith.cmpi eq, %get3A_164, %eq3A_169 : vector<16xi32>
    %jit3A_171 = arith.constant 0.000000e+00 : f32
    %broadcast_in_dim3A_172 = vector.broadcast %jit3A_171 : f32 to vector<16xf32>
    %select_n3A_173 = arith.select %eq3A_170, %get3A_167, %broadcast_in_dim3A_172 : vector<16xi1>, vector<16xf32>
    %add3A_174 = arith.addf %broadcast_in_dim3A_161, %select_n3A_173 : vector<16xf32>
    %get3A_175 = arith.constant 16 : index
    %get3A_176 = tpu.vector_load %arg5[%get3A_175] {strides = array<i32>} : memref<32xi32, #tpu.memory_space<vmem>>, vector<16xi32>,
    %get3A_177 = vector.shape_cast %get3A_176 : vector<16xi32> to vector<16xi32>
    %get3A_178 = arith.constant 16 : index
    %get3A_179 = tpu.vector_load %arg6[%get3A_178] {strides = array<i32>} : memref<32xf32, #tpu.memory_space<vmem>>, vector<16xf32>,
    %get3A_180 = vector.shape_cast %get3A_179 : vector<16xf32> to vector<16xf32>
    %eq3A_181 = arith.constant 4 : i32
    %eq3A_182 = vector.broadcast %eq3A_181 : i32 to vector<16xi32>
    %eq3A_183 = arith.cmpi eq, %get3A_177, %eq3A_182 : vector<16xi32>
    %jit3A_184 = arith.constant 0.000000e+00 : f32
    %broadcast_in_dim3A_185 = vector.broadcast %jit3A_184 : f32 to vector<16xf32>
    %select_n3A_186 = arith.select %eq3A_183, %get3A_180, %broadcast_in_dim3A_185 : vector<16xi1>, vector<16xf32>
    %add3A_187 = arith.addf %add3A_174, %select_n3A_186 : vector<16xf32>
    %swap3A_188 = arith.constant 64 : index
    %swap3A_189 = tpu.vector_load %arg7[%swap3A_188] {strides = array<i32>} : memref<256xf32, #tpu.memory_space<vmem>>, vector<16xf32>,
    %swap3A_190 = vector.shape_cast %swap3A_189 : vector<16xf32> to vector<16xf32>
    %swap3A_191 = vector.shape_cast %add3A_187 : vector<16xf32> to vector<16xf32>
    tpu.vector_store %arg7[%swap3A_188], %swap3A_191 {strides = array<i32>} : memref<256xf32, #tpu.memory_space<vmem>>, vector<16xf32>,
    %broadcast_in_dim3A_192 = arith.constant 0.000000e+00 : f32
    %broadcast_in_dim3A_193 = vector.broadcast %broadcast_in_dim3A_192 : f32 to vector<16xf32>
    %get3A_194 = arith.constant 0 : index
    %get3A_195 = tpu.vector_load %arg5[%get3A_194] {strides = array<i32>} : memref<32xi32, #tpu.memory_space<vmem>>, vector<16xi32>,
    %get3A_196 = vector.shape_cast %get3A_195 : vector<16xi32> to vector<16xi32>
    %get3A_197 = arith.constant 0 : index
    %get3A_198 = tpu.vector_load %arg6[%get3A_197] {strides = array<i32>} : memref<32xf32, #tpu.memory_space<vmem>>, vector<16xf32>,
    %get3A_199 = vector.shape_cast %get3A_198 : vector<16xf32> to vector<16xf32>
    %eq3A_200 = arith.constant 5 : i32
    %eq3A_201 = vector.broadcast %eq3A_200 : i32 to vector<16xi32>
    %eq3A_202 = arith.cmpi eq, %get3A_196, %eq3A_201 : vector<16xi32>
    %jit3A_203 = arith.constant 0.000000e+00 : f32
    %broadcast_in_dim3A_204 = vector.broadcast %jit3A_203 : f32 to vector<16xf32>
    %select_n3A_205 = arith.select %eq3A_202, %get3A_199, %broadcast_in_dim3A_204 : vector<16xi1>, vector<16xf32>
    %add3A_206 = arith.addf %broadcast_in_dim3A_193, %select_n3A_205 : vector<16xf32>
    %get3A_207 = arith.constant 16 : index
    %get3A_208 = tpu.vector_load %arg5[%get3A_207] {strides = array<i32>} : memref<32xi32, #tpu.memory_space<vmem>>, vector<16xi32>,
    %get3A_209 = vector.shape_cast %get3A_208 : vector<16xi32> to vector<16xi32>
    %get3A_210 = arith.constant 16 : index
    %get3A_211 = tpu.vector_load %arg6[%get3A_210] {strides = array<i32>} : memref<32xf32, #tpu.memory_space<vmem>>, vector<16xf32>,
    %get3A_212 = vector.shape_cast %get3A_211 : vector<16xf32> to vector<16xf32>
    %eq3A_213 = arith.constant 5 : i32
    %eq3A_214 = vector.broadcast %eq3A_213 : i32 to vector<16xi32>
    %eq3A_215 = arith.cmpi eq, %get3A_209, %eq3A_214 : vector<16xi32>
    %jit3A_216 = arith.constant 0.000000e+00 : f32
    %broadcast_in_dim3A_217 = vector.broadcast %jit3A_216 : f32 to vector<16xf32>
    %select_n3A_218 = arith.select %eq3A_215, %get3A_212, %broadcast_in_dim3A_217 : vector<16xi1>, vector<16xf32>
    %add3A_219 = arith.addf %add3A_206, %select_n3A_218 : vector<16xf32>
    %swap3A_220 = arith.constant 80 : index
    %swap3A_221 = tpu.vector_load %arg7[%swap3A_220] {strides = array<i32>} : memref<256xf32, #tpu.memory_space<vmem>>, vector<16xf32>,
    %swap3A_222 = vector.shape_cast %swap3A_221 : vector<16xf32> to vector<16xf32>
    %swap3A_223 = vector.shape_cast %add3A_219 : vector<16xf32> to vector<16xf32>
    tpu.vector_store %arg7[%swap3A_220], %swap3A_223 {strides = array<i32>} : memref<256xf32, #tpu.memory_space<vmem>>, vector<16xf32>,
    %broadcast_in_dim3A_224 = arith.constant 0.000000e+00 : f32
    %broadcast_in_dim3A_225 = vector.broadcast %broadcast_in_dim3A_224 : f32 to vector<16xf32>
    %get3A_226 = arith.constant 0 : index
    %get3A_227 = tpu.vector_load %arg5[%get3A_226] {strides = array<i32>} : memref<32xi32, #tpu.memory_space<vmem>>, vector<16xi32>,
    %get3A_228 = vector.shape_cast %get3A_227 : vector<16xi32> to vector<16xi32>
    %get3A_229 = arith.constant 0 : index
    %get3A_230 = tpu.vector_load %arg6[%get3A_229] {strides = array<i32>} : memref<32xf32, #tpu.memory_space<vmem>>, vector<16xf32>,
    %get3A_231 = vector.shape_cast %get3A_230 : vector<16xf32> to vector<16xf32>
    %eq3A_232 = arith.constant 6 : i32
    %eq3A_233 = vector.broadcast %eq3A_232 : i32 to vector<16xi32>
    %eq3A_234 = arith.cmpi eq, %get3A_228, %eq3A_233 : vector<16xi32>
    %jit3A_235 = arith.constant 0.000000e+00 : f32
    %broadcast_in_dim3A_236 = vector.broadcast %jit3A_235 : f32 to vector<16xf32>
    %select_n3A_237 = arith.select %eq3A_234, %get3A_231, %broadcast_in_dim3A_236 : vector<16xi1>, vector<16xf32>
    %add3A_238 = arith.addf %broadcast_in_dim3A_225, %select_n3A_237 : vector<16xf32>
    %get3A_239 = arith.constant 16 : index
    %get3A_240 = tpu.vector_load %arg5[%get3A_239] {strides = array<i32>} : memref<32xi32, #tpu.memory_space<vmem>>, vector<16xi32>,
    %get3A_241 = vector.shape_cast %get3A_240 : vector<16xi32> to vector<16xi32>
    %get3A_242 = arith.constant 16 : index
    %get3A_243 = tpu.vector_load %arg6[%get3A_242] {strides = array<i32>} : memref<32xf32, #tpu.memory_space<vmem>>, vector<16xf32>,
    %get3A_244 = vector.shape_cast %get3A_243 : vector<16xf32> to vector<16xf32>
    %eq3A_245 = arith.constant 6 : i32
    %eq3A_246 = vector.broadcast %eq3A_245 : i32 to vector<16xi32>
    %eq3A_247 = arith.cmpi eq, %get3A_241, %eq3A_246 : vector<16xi32>
    %jit3A_248 = arith.constant 0.000000e+00 : f32
    %broadcast_in_dim3A_249 = vector.broadcast %jit3A_248 : f32 to vector<16xf32>
    %select_n3A_250 = arith.select %eq3A_247, %get3A_244, %broadcast_in_dim3A_249 : vector<16xi1>, vector<16xf32>
    %add3A_251 = arith.addf %add3A_238, %select_n3A_250 : vector<16xf32>
    %swap3A_252 = arith.constant 96 : index
    %swap3A_253 = tpu.vector_load %arg7[%swap3A_252] {strides = array<i32>} : memref<256xf32, #tpu.memory_space<vmem>>, vector<16xf32>,
    %swap3A_254 = vector.shape_cast %swap3A_253 : vector<16xf32> to vector<16xf32>
    %swap3A_255 = vector.shape_cast %add3A_251 : vector<16xf32> to vector<16xf32>
    tpu.vector_store %arg7[%swap3A_252], %swap3A_255 {strides = array<i32>} : memref<256xf32, #tpu.memory_space<vmem>>, vector<16xf32>,
    %broadcast_in_dim3A_256 = arith.constant 0.000000e+00 : f32
    %broadcast_in_dim3A_257 = vector.broadcast %broadcast_in_dim3A_256 : f32 to vector<16xf32>
    %get3A_258 = arith.constant 0 : index
    %get3A_259 = tpu.vector_load %arg5[%get3A_258] {strides = array<i32>} : memref<32xi32, #tpu.memory_space<vmem>>, vector<16xi32>,
    %get3A_260 = vector.shape_cast %get3A_259 : vector<16xi32> to vector<16xi32>
    %get3A_261 = arith.constant 0 : index
    %get3A_262 = tpu.vector_load %arg6[%get3A_261] {strides = array<i32>} : memref<32xf32, #tpu.memory_space<vmem>>, vector<16xf32>,
    %get3A_263 = vector.shape_cast %get3A_262 : vector<16xf32> to vector<16xf32>
    %eq3A_264 = arith.constant 7 : i32
    %eq3A_265 = vector.broadcast %eq3A_264 : i32 to vector<16xi32>
    %eq3A_266 = arith.cmpi eq, %get3A_260, %eq3A_265 : vector<16xi32>
    %jit3A_267 = arith.constant 0.000000e+00 : f32
    %broadcast_in_dim3A_268 = vector.broadcast %jit3A_267 : f32 to vector<16xf32>
    %select_n3A_269 = arith.select %eq3A_266, %get3A_263, %broadcast_in_dim3A_268 : vector<16xi1>, vector<16xf32>
    %add3A_270 = arith.addf %broadcast_in_dim3A_257, %select_n3A_269 : vector<16xf32>
    %get3A_271 = arith.constant 16 : index
    %get3A_272 = tpu.vector_load %arg5[%get3A_271] {strides = array<i32>} : memref<32xi32, #tpu.memory_space<vmem>>, vector<16xi32>,
    %get3A_273 = vector.shape_cast %get3A_272 : vector<16xi32> to vector<16xi32>
    %get3A_274 = arith.constant 16 : index
    %get3A_275 = tpu.vector_load %arg6[%get3A_274] {strides = array<i32>} : memref<32xf32, #tpu.memory_space<vmem>>, vector<16xf32>,
    %get3A_276 = vector.shape_cast %get3A_275 : vector<16xf32> to vector<16xf32>
    %eq3A_277 = arith.constant 7 : i32
    %eq3A_278 = vector.broadcast %eq3A_277 : i32 to vector<16xi32>
    %eq3A_279 = arith.cmpi eq, %get3A_273, %eq3A_278 : vector<16xi32>
    %jit3A_280 = arith.constant 0.000000e+00 : f32
    %broadcast_in_dim3A_281 = vector.broadcast %jit3A_280 : f32 to vector<16xf32>
    %select_n3A_282 = arith.select %eq3A_279, %get3A_276, %broadcast_in_dim3A_281 : vector<16xi1>, vector<16xf32>
    %add3A_283 = arith.addf %add3A_270, %select_n3A_282 : vector<16xf32>
    %swap3A_284 = arith.constant 112 : index
    %swap3A_285 = tpu.vector_load %arg7[%swap3A_284] {strides = array<i32>} : memref<256xf32, #tpu.memory_space<vmem>>, vector<16xf32>,
    %swap3A_286 = vector.shape_cast %swap3A_285 : vector<16xf32> to vector<16xf32>
    %swap3A_287 = vector.shape_cast %add3A_283 : vector<16xf32> to vector<16xf32>
    tpu.vector_store %arg7[%swap3A_284], %swap3A_287 {strides = array<i32>} : memref<256xf32, #tpu.memory_space<vmem>>, vector<16xf32>,
    %broadcast_in_dim3A_288 = arith.constant 0.000000e+00 : f32
    %broadcast_in_dim3A_289 = vector.broadcast %broadcast_in_dim3A_288 : f32 to vector<16xf32>
    %get3A_290 = arith.constant 0 : index
    %get3A_291 = tpu.vector_load %arg5[%get3A_290] {strides = array<i32>} : memref<32xi32, #tpu.memory_space<vmem>>, vector<16xi32>,
    %get3A_292 = vector.shape_cast %get3A_291 : vector<16xi32> to vector<16xi32>
    %get3A_293 = arith.constant 0 : index
    %get3A_294 = tpu.vector_load %arg6[%get3A_293] {strides = array<i32>} : memref<32xf32, #tpu.memory_space<vmem>>, vector<16xf32>,
    %get3A_295 = vector.shape_cast %get3A_294 : vector<16xf32> to vector<16xf32>
    %eq3A_296 = arith.constant 8 : i32
    %eq3A_297 = vector.broadcast %eq3A_296 : i32 to vector<16xi32>
    %eq3A_298 = arith.cmpi eq, %get3A_292, %eq3A_297 : vector<16xi32>
    %jit3A_299 = arith.constant 0.000000e+00 : f32
    %broadcast_in_dim3A_300 = vector.broadcast %jit3A_299 : f32 to vector<16xf32>
    %select_n3A_301 = arith.select %eq3A_298, %get3A_295, %broadcast_in_dim3A_300 : vector<16xi1>, vector<16xf32>
    %add3A_302 = arith.addf %broadcast_in_dim3A_289, %select_n3A_301 : vector<16xf32>
    %get3A_303 = arith.constant 16 : index
    %get3A_304 = tpu.vector_load %arg5[%get3A_303] {strides = array<i32>} : memref<32xi32, #tpu.memory_space<vmem>>, vector<16xi32>,
    %get3A_305 = vector.shape_cast %get3A_304 : vector<16xi32> to vector<16xi32>
    %get3A_306 = arith.constant 16 : index
    %get3A_307 = tpu.vector_load %arg6[%get3A_306] {strides = array<i32>} : memref<32xf32, #tpu.memory_space<vmem>>, vector<16xf32>,
    %get3A_308 = vector.shape_cast %get3A_307 : vector<16xf32> to vector<16xf32>
    %eq3A_309 = arith.constant 8 : i32
    %eq3A_310 = vector.broadcast %eq3A_309 : i32 to vector<16xi32>
    %eq3A_311 = arith.cmpi eq, %get3A_305, %eq3A_310 : vector<16xi32>
    %jit3A_312 = arith.constant 0.000000e+00 : f32
    %broadcast_in_dim3A_313 = vector.broadcast %jit3A_312 : f32 to vector<16xf32>
    %select_n3A_314 = arith.select %eq3A_311, %get3A_308, %broadcast_in_dim3A_313 : vector<16xi1>, vector<16xf32>
    %add3A_315 = arith.addf %add3A_302, %select_n3A_314 : vector<16xf32>
    %swap3A_316 = arith.constant 128 : index
    %swap3A_317 = tpu.vector_load %arg7[%swap3A_316] {strides = array<i32>} : memref<256xf32, #tpu.memory_space<vmem>>, vector<16xf32>,
    %swap3A_318 = vector.shape_cast %swap3A_317 : vector<16xf32> to vector<16xf32>
    %swap3A_319 = vector.shape_cast %add3A_315 : vector<16xf32> to vector<16xf32>
    tpu.vector_store %arg7[%swap3A_316], %swap3A_319 {strides = array<i32>} : memref<256xf32, #tpu.memory_space<vmem>>, vector<16xf32>,
    %broadcast_in_dim3A_320 = arith.constant 0.000000e+00 : f32
    %broadcast_in_dim3A_321 = vector.broadcast %broadcast_in_dim3A_320 : f32 to vector<16xf32>
    %get3A_322 = arith.constant 0 : index
    %get3A_323 = tpu.vector_load %arg5[%get3A_322] {strides = array<i32>} : memref<32xi32, #tpu.memory_space<vmem>>, vector<16xi32>,
    %get3A_324 = vector.shape_cast %get3A_323 : vector<16xi32> to vector<16xi32>
    %get3A_325 = arith.constant 0 : index
    %get3A_326 = tpu.vector_load %arg6[%get3A_325] {strides = array<i32>} : memref<32xf32, #tpu.memory_space<vmem>>, vector<16xf32>,
    %get3A_327 = vector.shape_cast %get3A_326 : vector<16xf32> to vector<16xf32>
    %eq3A_328 = arith.constant 9 : i32
    %eq3A_329 = vector.broadcast %eq3A_328 : i32 to vector<16xi32>
    %eq3A_330 = arith.cmpi eq, %get3A_324, %eq3A_329 : vector<16xi32>
    %jit3A_331 = arith.constant 0.000000e+00 : f32
    %broadcast_in_dim3A_332 = vector.broadcast %jit3A_331 : f32 to vector<16xf32>
    %select_n3A_333 = arith.select %eq3A_330, %get3A_327, %broadcast_in_dim3A_332 : vector<16xi1>, vector<16xf32>
    %add3A_334 = arith.addf %broadcast_in_dim3A_321, %select_n3A_333 : vector<16xf32>
    %get3A_335 = arith.constant 16 : index
    %get3A_336 = tpu.vector_load %arg5[%get3A_335] {strides = array<i32>} : memref<32xi32, #tpu.memory_space<vmem>>, vector<16xi32>,
    %get3A_337 = vector.shape_cast %get3A_336 : vector<16xi32> to vector<16xi32>
    %get3A_338 = arith.constant 16 : index
    %get3A_339 = tpu.vector_load %arg6[%get3A_338] {strides = array<i32>} : memref<32xf32, #tpu.memory_space<vmem>>, vector<16xf32>,
    %get3A_340 = vector.shape_cast %get3A_339 : vector<16xf32> to vector<16xf32>
    %eq3A_341 = arith.constant 9 : i32
    %eq3A_342 = vector.broadcast %eq3A_341 : i32 to vector<16xi32>
    %eq3A_343 = arith.cmpi eq, %get3A_337, %eq3A_342 : vector<16xi32>
    %jit3A_344 = arith.constant 0.000000e+00 : f32
    %broadcast_in_dim3A_345 = vector.broadcast %jit3A_344 : f32 to vector<16xf32>
    %select_n3A_346 = arith.select %eq3A_343, %get3A_340, %broadcast_in_dim3A_345 : vector<16xi1>, vector<16xf32>
    %add3A_347 = arith.addf %add3A_334, %select_n3A_346 : vector<16xf32>
    %swap3A_348 = arith.constant 144 : index
    %swap3A_349 = tpu.vector_load %arg7[%swap3A_348] {strides = array<i32>} : memref<256xf32, #tpu.memory_space<vmem>>, vector<16xf32>,
    %swap3A_350 = vector.shape_cast %swap3A_349 : vector<16xf32> to vector<16xf32>
    %swap3A_351 = vector.shape_cast %add3A_347 : vector<16xf32> to vector<16xf32>
    tpu.vector_store %arg7[%swap3A_348], %swap3A_351 {strides = array<i32>} : memref<256xf32, #tpu.memory_space<vmem>>, vector<16xf32>,
    %broadcast_in_dim3A_352 = arith.constant 0.000000e+00 : f32
    %broadcast_in_dim3A_353 = vector.broadcast %broadcast_in_dim3A_352 : f32 to vector<16xf32>
    %get3A_354 = arith.constant 0 : index
    %get3A_355 = tpu.vector_load %arg5[%get3A_354] {strides = array<i32>} : memref<32xi32, #tpu.memory_space<vmem>>, vector<16xi32>,
    %get3A_356 = vector.shape_cast %get3A_355 : vector<16xi32> to vector<16xi32>
    %get3A_357 = arith.constant 0 : index
    %get3A_358 = tpu.vector_load %arg6[%get3A_357] {strides = array<i32>} : memref<32xf32, #tpu.memory_space<vmem>>, vector<16xf32>,
    %get3A_359 = vector.shape_cast %get3A_358 : vector<16xf32> to vector<16xf32>
    %eq3A_360 = arith.constant 10 : i32
    %eq3A_361 = vector.broadcast %eq3A_360 : i32 to vector<16xi32>
    %eq3A_362 = arith.cmpi eq, %get3A_356, %eq3A_361 : vector<16xi32>
    %jit3A_363 = arith.constant 0.000000e+00 : f32
    %broadcast_in_dim3A_364 = vector.broadcast %jit3A_363 : f32 to vector<16xf32>
    %select_n3A_365 = arith.select %eq3A_362, %get3A_359, %broadcast_in_dim3A_364 : vector<16xi1>, vector<16xf32>
    %add3A_366 = arith.addf %broadcast_in_dim3A_353, %select_n3A_365 : vector<16xf32>
    %get3A_367 = arith.constant 16 : index
    %get3A_368 = tpu.vector_load %arg5[%get3A_367] {strides = array<i32>} : memref<32xi32, #tpu.memory_space<vmem>>, vector<16xi32>,
    %get3A_369 = vector.shape_cast %get3A_368 : vector<16xi32> to vector<16xi32>
    %get3A_370 = arith.constant 16 : index
    %get3A_371 = tpu.vector_load %arg6[%get3A_370] {strides = array<i32>} : memref<32xf32, #tpu.memory_space<vmem>>, vector<16xf32>,
    %get3A_372 = vector.shape_cast %get3A_371 : vector<16xf32> to vector<16xf32>
    %eq3A_373 = arith.constant 10 : i32
    %eq3A_374 = vector.broadcast %eq3A_373 : i32 to vector<16xi32>
    %eq3A_375 = arith.cmpi eq, %get3A_369, %eq3A_374 : vector<16xi32>
    %jit3A_376 = arith.constant 0.000000e+00 : f32
    %broadcast_in_dim3A_377 = vector.broadcast %jit3A_376 : f32 to vector<16xf32>
    %select_n3A_378 = arith.select %eq3A_375, %get3A_372, %broadcast_in_dim3A_377 : vector<16xi1>, vector<16xf32>
    %add3A_379 = arith.addf %add3A_366, %select_n3A_378 : vector<16xf32>
    %swap3A_380 = arith.constant 160 : index
    %swap3A_381 = tpu.vector_load %arg7[%swap3A_380] {strides = array<i32>} : memref<256xf32, #tpu.memory_space<vmem>>, vector<16xf32>,
    %swap3A_382 = vector.shape_cast %swap3A_381 : vector<16xf32> to vector<16xf32>
    %swap3A_383 = vector.shape_cast %add3A_379 : vector<16xf32> to vector<16xf32>
    tpu.vector_store %arg7[%swap3A_380], %swap3A_383 {strides = array<i32>} : memref<256xf32, #tpu.memory_space<vmem>>, vector<16xf32>,
    %broadcast_in_dim3A_384 = arith.constant 0.000000e+00 : f32
    %broadcast_in_dim3A_385 = vector.broadcast %broadcast_in_dim3A_384 : f32 to vector<16xf32>
    %get3A_386 = arith.constant 0 : index
    %get3A_387 = tpu.vector_load %arg5[%get3A_386] {strides = array<i32>} : memref<32xi32, #tpu.memory_space<vmem>>, vector<16xi32>,
    %get3A_388 = vector.shape_cast %get3A_387 : vector<16xi32> to vector<16xi32>
    %get3A_389 = arith.constant 0 : index
    %get3A_390 = tpu.vector_load %arg6[%get3A_389] {strides = array<i32>} : memref<32xf32, #tpu.memory_space<vmem>>, vector<16xf32>,
    %get3A_391 = vector.shape_cast %get3A_390 : vector<16xf32> to vector<16xf32>
    %eq3A_392 = arith.constant 11 : i32
    %eq3A_393 = vector.broadcast %eq3A_392 : i32 to vector<16xi32>
    %eq3A_394 = arith.cmpi eq, %get3A_388, %eq3A_393 : vector<16xi32>
    %jit3A_395 = arith.constant 0.000000e+00 : f32
    %broadcast_in_dim3A_396 = vector.broadcast %jit3A_395 : f32 to vector<16xf32>
    %select_n3A_397 = arith.select %eq3A_394, %get3A_391, %broadcast_in_dim3A_396 : vector<16xi1>, vector<16xf32>
    %add3A_398 = arith.addf %broadcast_in_dim3A_385, %select_n3A_397 : vector<16xf32>
    %get3A_399 = arith.constant 16 : index
    %get3A_400 = tpu.vector_load %arg5[%get3A_399] {strides = array<i32>} : memref<32xi32, #tpu.memory_space<vmem>>, vector<16xi32>,
    %get3A_401 = vector.shape_cast %get3A_400 : vector<16xi32> to vector<16xi32>
    %get3A_402 = arith.constant 16 : index
    %get3A_403 = tpu.vector_load %arg6[%get3A_402] {strides = array<i32>} : memref<32xf32, #tpu.memory_space<vmem>>, vector<16xf32>,
    %get3A_404 = vector.shape_cast %get3A_403 : vector<16xf32> to vector<16xf32>
    %eq3A_405 = arith.constant 11 : i32
    %eq3A_406 = vector.broadcast %eq3A_405 : i32 to vector<16xi32>
    %eq3A_407 = arith.cmpi eq, %get3A_401, %eq3A_406 : vector<16xi32>
    %jit3A_408 = arith.constant 0.000000e+00 : f32
    %broadcast_in_dim3A_409 = vector.broadcast %jit3A_408 : f32 to vector<16xf32>
    %select_n3A_410 = arith.select %eq3A_407, %get3A_404, %broadcast_in_dim3A_409 : vector<16xi1>, vector<16xf32>
    %add3A_411 = arith.addf %add3A_398, %select_n3A_410 : vector<16xf32>
    %swap3A_412 = arith.constant 176 : index
    %swap3A_413 = tpu.vector_load %arg7[%swap3A_412] {strides = array<i32>} : memref<256xf32, #tpu.memory_space<vmem>>, vector<16xf32>,
    %swap3A_414 = vector.shape_cast %swap3A_413 : vector<16xf32> to vector<16xf32>
    %swap3A_415 = vector.shape_cast %add3A_411 : vector<16xf32> to vector<16xf32>
    tpu.vector_store %arg7[%swap3A_412], %swap3A_415 {strides = array<i32>} : memref<256xf32, #tpu.memory_space<vmem>>, vector<16xf32>,
    %broadcast_in_dim3A_416 = arith.constant 0.000000e+00 : f32
    %broadcast_in_dim3A_417 = vector.broadcast %broadcast_in_dim3A_416 : f32 to vector<16xf32>
    %get3A_418 = arith.constant 0 : index
    %get3A_419 = tpu.vector_load %arg5[%get3A_418] {strides = array<i32>} : memref<32xi32, #tpu.memory_space<vmem>>, vector<16xi32>,
    %get3A_420 = vector.shape_cast %get3A_419 : vector<16xi32> to vector<16xi32>
    %get3A_421 = arith.constant 0 : index
    %get3A_422 = tpu.vector_load %arg6[%get3A_421] {strides = array<i32>} : memref<32xf32, #tpu.memory_space<vmem>>, vector<16xf32>,
    %get3A_423 = vector.shape_cast %get3A_422 : vector<16xf32> to vector<16xf32>
    %eq3A_424 = arith.constant 12 : i32
    %eq3A_425 = vector.broadcast %eq3A_424 : i32 to vector<16xi32>
    %eq3A_426 = arith.cmpi eq, %get3A_420, %eq3A_425 : vector<16xi32>
    %jit3A_427 = arith.constant 0.000000e+00 : f32
    %broadcast_in_dim3A_428 = vector.broadcast %jit3A_427 : f32 to vector<16xf32>
    %select_n3A_429 = arith.select %eq3A_426, %get3A_423, %broadcast_in_dim3A_428 : vector<16xi1>, vector<16xf32>
    %add3A_430 = arith.addf %broadcast_in_dim3A_417, %select_n3A_429 : vector<16xf32>
    %get3A_431 = arith.constant 16 : index
    %get3A_432 = tpu.vector_load %arg5[%get3A_431] {strides = array<i32>} : memref<32xi32, #tpu.memory_space<vmem>>, vector<16xi32>,
    %get3A_433 = vector.shape_cast %get3A_432 : vector<16xi32> to vector<16xi32>
    %get3A_434 = arith.constant 16 : index
    %get3A_435 = tpu.vector_load %arg6[%get3A_434] {strides = array<i32>} : memref<32xf32, #tpu.memory_space<vmem>>, vector<16xf32>,
    %get3A_436 = vector.shape_cast %get3A_435 : vector<16xf32> to vector<16xf32>
    %eq3A_437 = arith.constant 12 : i32
    %eq3A_438 = vector.broadcast %eq3A_437 : i32 to vector<16xi32>
    %eq3A_439 = arith.cmpi eq, %get3A_433, %eq3A_438 : vector<16xi32>
    %jit3A_440 = arith.constant 0.000000e+00 : f32
    %broadcast_in_dim3A_441 = vector.broadcast %jit3A_440 : f32 to vector<16xf32>
    %select_n3A_442 = arith.select %eq3A_439, %get3A_436, %broadcast_in_dim3A_441 : vector<16xi1>, vector<16xf32>
    %add3A_443 = arith.addf %add3A_430, %select_n3A_442 : vector<16xf32>
    %swap3A_444 = arith.constant 192 : index
    %swap3A_445 = tpu.vector_load %arg7[%swap3A_444] {strides = array<i32>} : memref<256xf32, #tpu.memory_space<vmem>>, vector<16xf32>,
    %swap3A_446 = vector.shape_cast %swap3A_445 : vector<16xf32> to vector<16xf32>
    %swap3A_447 = vector.shape_cast %add3A_443 : vector<16xf32> to vector<16xf32>
    tpu.vector_store %arg7[%swap3A_444], %swap3A_447 {strides = array<i32>} : memref<256xf32, #tpu.memory_space<vmem>>, vector<16xf32>,
    %broadcast_in_dim3A_448 = arith.constant 0.000000e+00 : f32
    %broadcast_in_dim3A_449 = vector.broadcast %broadcast_in_dim3A_448 : f32 to vector<16xf32>
    %get3A_450 = arith.constant 0 : index
    %get3A_451 = tpu.vector_load %arg5[%get3A_450] {strides = array<i32>} : memref<32xi32, #tpu.memory_space<vmem>>, vector<16xi32>,
    %get3A_452 = vector.shape_cast %get3A_451 : vector<16xi32> to vector<16xi32>
    %get3A_453 = arith.constant 0 : index
    %get3A_454 = tpu.vector_load %arg6[%get3A_453] {strides = array<i32>} : memref<32xf32, #tpu.memory_space<vmem>>, vector<16xf32>,
    %get3A_455 = vector.shape_cast %get3A_454 : vector<16xf32> to vector<16xf32>
    %eq3A_456 = arith.constant 13 : i32
    %eq3A_457 = vector.broadcast %eq3A_456 : i32 to vector<16xi32>
    %eq3A_458 = arith.cmpi eq, %get3A_452, %eq3A_457 : vector<16xi32>
    %jit3A_459 = arith.constant 0.000000e+00 : f32
    %broadcast_in_dim3A_460 = vector.broadcast %jit3A_459 : f32 to vector<16xf32>
    %select_n3A_461 = arith.select %eq3A_458, %get3A_455, %broadcast_in_dim3A_460 : vector<16xi1>, vector<16xf32>
    %add3A_462 = arith.addf %broadcast_in_dim3A_449, %select_n3A_461 : vector<16xf32>
    %get3A_463 = arith.constant 16 : index
    %get3A_464 = tpu.vector_load %arg5[%get3A_463] {strides = array<i32>} : memref<32xi32, #tpu.memory_space<vmem>>, vector<16xi32>,
    %get3A_465 = vector.shape_cast %get3A_464 : vector<16xi32> to vector<16xi32>
    %get3A_466 = arith.constant 16 : index
    %get3A_467 = tpu.vector_load %arg6[%get3A_466] {strides = array<i32>} : memref<32xf32, #tpu.memory_space<vmem>>, vector<16xf32>,
    %get3A_468 = vector.shape_cast %get3A_467 : vector<16xf32> to vector<16xf32>
    %eq3A_469 = arith.constant 13 : i32
    %eq3A_470 = vector.broadcast %eq3A_469 : i32 to vector<16xi32>
    %eq3A_471 = arith.cmpi eq, %get3A_465, %eq3A_470 : vector<16xi32>
    %jit3A_472 = arith.constant 0.000000e+00 : f32
    %broadcast_in_dim3A_473 = vector.broadcast %jit3A_472 : f32 to vector<16xf32>
    %select_n3A_474 = arith.select %eq3A_471, %get3A_468, %broadcast_in_dim3A_473 : vector<16xi1>, vector<16xf32>
    %add3A_475 = arith.addf %add3A_462, %select_n3A_474 : vector<16xf32>
    %swap3A_476 = arith.constant 208 : index
    %swap3A_477 = tpu.vector_load %arg7[%swap3A_476] {strides = array<i32>} : memref<256xf32, #tpu.memory_space<vmem>>, vector<16xf32>,
    %swap3A_478 = vector.shape_cast %swap3A_477 : vector<16xf32> to vector<16xf32>
    %swap3A_479 = vector.shape_cast %add3A_475 : vector<16xf32> to vector<16xf32>
    tpu.vector_store %arg7[%swap3A_476], %swap3A_479 {strides = array<i32>} : memref<256xf32, #tpu.memory_space<vmem>>, vector<16xf32>,
    %broadcast_in_dim3A_480 = arith.constant 0.000000e+00 : f32
    %broadcast_in_dim3A_481 = vector.broadcast %broadcast_in_dim3A_480 : f32 to vector<16xf32>
    %get3A_482 = arith.constant 0 : index
    %get3A_483 = tpu.vector_load %arg5[%get3A_482] {strides = array<i32>} : memref<32xi32, #tpu.memory_space<vmem>>, vector<16xi32>,
    %get3A_484 = vector.shape_cast %get3A_483 : vector<16xi32> to vector<16xi32>
    %get3A_485 = arith.constant 0 : index
    %get3A_486 = tpu.vector_load %arg6[%get3A_485] {strides = array<i32>} : memref<32xf32, #tpu.memory_space<vmem>>, vector<16xf32>,
    %get3A_487 = vector.shape_cast %get3A_486 : vector<16xf32> to vector<16xf32>
    %eq3A_488 = arith.constant 14 : i32
    %eq3A_489 = vector.broadcast %eq3A_488 : i32 to vector<16xi32>
    %eq3A_490 = arith.cmpi eq, %get3A_484, %eq3A_489 : vector<16xi32>
    %jit3A_491 = arith.constant 0.000000e+00 : f32
    %broadcast_in_dim3A_492 = vector.broadcast %jit3A_491 : f32 to vector<16xf32>
    %select_n3A_493 = arith.select %eq3A_490, %get3A_487, %broadcast_in_dim3A_492 : vector<16xi1>, vector<16xf32>
    %add3A_494 = arith.addf %broadcast_in_dim3A_481, %select_n3A_493 : vector<16xf32>
    %get3A_495 = arith.constant 16 : index
    %get3A_496 = tpu.vector_load %arg5[%get3A_495] {strides = array<i32>} : memref<32xi32, #tpu.memory_space<vmem>>, vector<16xi32>,
    %get3A_497 = vector.shape_cast %get3A_496 : vector<16xi32> to vector<16xi32>
    %get3A_498 = arith.constant 16 : index
    %get3A_499 = tpu.vector_load %arg6[%get3A_498] {strides = array<i32>} : memref<32xf32, #tpu.memory_space<vmem>>, vector<16xf32>,
    %get3A_500 = vector.shape_cast %get3A_499 : vector<16xf32> to vector<16xf32>
    %eq3A_501 = arith.constant 14 : i32
    %eq3A_502 = vector.broadcast %eq3A_501 : i32 to vector<16xi32>
    %eq3A_503 = arith.cmpi eq, %get3A_497, %eq3A_502 : vector<16xi32>
    %jit3A_504 = arith.constant 0.000000e+00 : f32
    %broadcast_in_dim3A_505 = vector.broadcast %jit3A_504 : f32 to vector<16xf32>
    %select_n3A_506 = arith.select %eq3A_503, %get3A_500, %broadcast_in_dim3A_505 : vector<16xi1>, vector<16xf32>
    %add3A_507 = arith.addf %add3A_494, %select_n3A_506 : vector<16xf32>
    %swap3A_508 = arith.constant 224 : index
    %swap3A_509 = tpu.vector_load %arg7[%swap3A_508] {strides = array<i32>} : memref<256xf32, #tpu.memory_space<vmem>>, vector<16xf32>,
    %swap3A_510 = vector.shape_cast %swap3A_509 : vector<16xf32> to vector<16xf32>
    %swap3A_511 = vector.shape_cast %add3A_507 : vector<16xf32> to vector<16xf32>
    tpu.vector_store %arg7[%swap3A_508], %swap3A_511 {strides = array<i32>} : memref<256xf32, #tpu.memory_space<vmem>>, vector<16xf32>,
    %broadcast_in_dim3A_512 = arith.constant 0.000000e+00 : f32
    %broadcast_in_dim3A_513 = vector.broadcast %broadcast_in_dim3A_512 : f32 to vector<16xf32>
    %get3A_514 = arith.constant 0 : index
    %get3A_515 = tpu.vector_load %arg5[%get3A_514] {strides = array<i32>} : memref<32xi32, #tpu.memory_space<vmem>>, vector<16xi32>,
    %get3A_516 = vector.shape_cast %get3A_515 : vector<16xi32> to vector<16xi32>
    %get3A_517 = arith.constant 0 : index
    %get3A_518 = tpu.vector_load %arg6[%get3A_517] {strides = array<i32>} : memref<32xf32, #tpu.memory_space<vmem>>, vector<16xf32>,
    %get3A_519 = vector.shape_cast %get3A_518 : vector<16xf32> to vector<16xf32>
    %eq3A_520 = arith.constant 15 : i32
    %eq3A_521 = vector.broadcast %eq3A_520 : i32 to vector<16xi32>
    %eq3A_522 = arith.cmpi eq, %get3A_516, %eq3A_521 : vector<16xi32>
    %jit3A_523 = arith.constant 0.000000e+00 : f32
    %broadcast_in_dim3A_524 = vector.broadcast %jit3A_523 : f32 to vector<16xf32>
    %select_n3A_525 = arith.select %eq3A_522, %get3A_519, %broadcast_in_dim3A_524 : vector<16xi1>, vector<16xf32>
    %add3A_526 = arith.addf %broadcast_in_dim3A_513, %select_n3A_525 : vector<16xf32>
    %get3A_527 = arith.constant 16 : index
    %get3A_528 = tpu.vector_load %arg5[%get3A_527] {strides = array<i32>} : memref<32xi32, #tpu.memory_space<vmem>>, vector<16xi32>,
    %get3A_529 = vector.shape_cast %get3A_528 : vector<16xi32> to vector<16xi32>
    %get3A_530 = arith.constant 16 : index
    %get3A_531 = tpu.vector_load %arg6[%get3A_530] {strides = array<i32>} : memref<32xf32, #tpu.memory_space<vmem>>, vector<16xf32>,
    %get3A_532 = vector.shape_cast %get3A_531 : vector<16xf32> to vector<16xf32>
    %eq3A_533 = arith.constant 15 : i32
    %eq3A_534 = vector.broadcast %eq3A_533 : i32 to vector<16xi32>
    %eq3A_535 = arith.cmpi eq, %get3A_529, %eq3A_534 : vector<16xi32>
    %jit3A_536 = arith.constant 0.000000e+00 : f32
    %broadcast_in_dim3A_537 = vector.broadcast %jit3A_536 : f32 to vector<16xf32>
    %select_n3A_538 = arith.select %eq3A_535, %get3A_532, %broadcast_in_dim3A_537 : vector<16xi1>, vector<16xf32>
    %add3A_539 = arith.addf %add3A_526, %select_n3A_538 : vector<16xf32>
    %swap3A_540 = arith.constant 240 : index
    %swap3A_541 = tpu.vector_load %arg7[%swap3A_540] {strides = array<i32>} : memref<256xf32, #tpu.memory_space<vmem>>, vector<16xf32>,
    %swap3A_542 = vector.shape_cast %swap3A_541 : vector<16xf32> to vector<16xf32>
    %swap3A_543 = vector.shape_cast %add3A_539 : vector<16xf32> to vector<16xf32>
    tpu.vector_store %arg7[%swap3A_540], %swap3A_543 {strides = array<i32>} : memref<256xf32, #tpu.memory_space<vmem>>, vector<16xf32>,
    %mul3A_544 = arith.constant 16 : i32
    %mul3A_545 = arith.muli %add3A, %mul3A_544 : i32
    %mul3A_546 = arith.constant 16 : i32
    %mul3A_547 = arith.muli %mul3A_545, %mul3A_546 : i32
    "tpu.region"() ({
      %run_scoped3A = tpu.sem_alloc : memref<!tpu.dma_semaphore, #tpu.memory_space<semaphore_mem>>
      %dma_start3A = tpu.memref_slice %arg4[%mul3A_547] : memref<8192xf32, #tpu.memory_space<hbm>> -> memref<256xf32, #tpu.memory_space<hbm>>
      %dma_start3A_548 = tpu.memref_slice %arg4[%mul3A_547] : memref<8192xf32, #tpu.memory_space<hbm>> -> memref<256xf32, #tpu.memory_space<hbm>>
      tpu.enqueue_dma source(%arg7 : memref<256xf32, #tpu.memory_space<vmem>>) target(%dma_start3A_548 : memref<256xf32, #tpu.memory_space<hbm>>) target_semaphore(%run_scoped3A : memref<!tpu.dma_semaphore, #tpu.memory_space<semaphore_mem>>)
      %dma_wait3A = tpu.memref_slice %arg4[%mul3A_547] : memref<8192xf32, #tpu.memory_space<hbm>> -> memref<256xf32, #tpu.memory_space<hbm>>
      %dma_wait3A_549 = tpu.memref_slice %arg4[%mul3A_547] : memref<8192xf32, #tpu.memory_space<hbm>> -> memref<256xf32, #tpu.memory_space<hbm>>
      tpu.wait_dma2 semaphore(%run_scoped3A : memref<!tpu.dma_semaphore, #tpu.memory_space<semaphore_mem>>) src(%arg7 : memref<256xf32, #tpu.memory_space<vmem>>) dst(%dma_wait3A_549 : memref<256xf32, #tpu.memory_space<hbm>>)
      tpu.yield
    }) : () -> ()
    return
  }
}

module attributes {stable_mosaic.version = 14 : i64} {
  func.func @_ffe_body(%arg0: memref<32x16x16xf32, #tpu.memory_space<vmem>>, %arg1: memref<512x768xf32, #tpu.memory_space<vmem>>, %arg2: memref<1024x768xf32, #tpu.memory_space<vmem>>, %arg3: memref<16x768x64xf32, #tpu.memory_space<vmem>>, %arg4: memref<512x768xf32, #tpu.memory_space<vmem>>) attributes {dimension_semantics = [], scalar_prefetch = 0 : i64, scratch_operands = 0 : i64, tpu.core_type = #tpu.core_type<tc>} {
    %get3A = arith.constant 0 : index
    %get3A_0 = arith.constant 0 : index
    %get3A_1 = arith.constant 0 : index
    %get3A_2 = vector.load %arg0[%get3A, %get3A_0, %get3A_1] : memref<32x16x16xf32, #tpu.memory_space<vmem>>, vector<32x16x16xf32>
    %transpose3A = tpu.transpose %get3A_2, [0, 2, 1] : vector<32x16x16xf32> -> vector<32x16x16xf32>
    %reshape3A = vector.shape_cast %transpose3A : vector<32x16x16xf32> to vector<512x16xf32>
    %iota3A = tpu.iota {dimensions = array<i32: 1>} : vector<16x1024xi32>
    %jit3A = arith.constant 64 : i32
    %div3A = vector.broadcast %jit3A : i32 to vector<16x1024xi32>
    %div3A_3 = arith.divsi %iota3A, %div3A : vector<16x1024xi32>
    %sign3A = arith.constant 0 : i32
    %sign3A_4 = vector.broadcast %sign3A : i32 to vector<16x1024xi32>
    %sign3A_5 = arith.cmpi sgt, %iota3A, %sign3A_4 : vector<16x1024xi32>
    %sign3A_6 = arith.extui %sign3A_5 : vector<16x1024xi1> to vector<16x1024xi32>
    %sign3A_7 = arith.constant 0 : i32
    %sign3A_8 = vector.broadcast %sign3A_7 : i32 to vector<16x1024xi32>
    %sign3A_9 = arith.cmpi slt, %iota3A, %sign3A_8 : vector<16x1024xi32>
    %sign3A_10 = arith.extui %sign3A_9 : vector<16x1024xi1> to vector<16x1024xi32>
    %sign3A_11 = arith.subi %sign3A_6, %sign3A_10 : vector<16x1024xi32>
    %sign3A_12 = arith.constant 0 : i32
    %sign3A_13 = arith.cmpi sgt, %jit3A, %sign3A_12 : i32
    %sign3A_14 = arith.extui %sign3A_13 : i1 to i32
    %sign3A_15 = arith.constant 0 : i32
    %sign3A_16 = arith.cmpi slt, %jit3A, %sign3A_15 : i32
    %sign3A_17 = arith.extui %sign3A_16 : i1 to i32
    %sign3A_18 = arith.subi %sign3A_14, %sign3A_17 : i32
    %ne3A = vector.broadcast %sign3A_18 : i32 to vector<16x1024xi32>
    %ne3A_19 = arith.cmpi ne, %sign3A_11, %ne3A : vector<16x1024xi32>
    %rem3A = vector.broadcast %jit3A : i32 to vector<16x1024xi32>
    %rem3A_20 = arith.remsi %iota3A, %rem3A : vector<16x1024xi32>
    %ne3A_21 = arith.constant 0 : i32
    %ne3A_22 = vector.broadcast %ne3A_21 : i32 to vector<16x1024xi32>
    %ne3A_23 = arith.cmpi ne, %rem3A_20, %ne3A_22 : vector<16x1024xi32>
    %and3A = arith.andi %ne3A_19, %ne3A_23 : vector<16x1024xi1>
    %sub3A = arith.constant 1 : i32
    %sub3A_24 = vector.broadcast %sub3A : i32 to vector<16x1024xi32>
    %sub3A_25 = arith.subi %div3A_3, %sub3A_24 : vector<16x1024xi32>
    %select_n3A = arith.select %and3A, %sub3A_25, %div3A_3 : vector<16x1024xi1>, vector<16x1024xi32>
    %iota3A_26 = tpu.iota {dimensions = array<i32: 0>} : vector<16x1024xi32>
    %eq3A = arith.cmpi eq, %iota3A_26, %select_n3A : vector<16x1024xi32>
    %jit3A_27 = arith.constant 1.000000e+00 : f32
    %jit3A_28 = arith.constant 0.000000e+00 : f32
    %broadcast_in_dim3A = vector.broadcast %jit3A_27 : f32 to vector<16x1024xf32>
    %broadcast_in_dim3A_29 = vector.broadcast %jit3A_28 : f32 to vector<16x1024xf32>
    %select_n3A_30 = arith.select %eq3A, %broadcast_in_dim3A, %broadcast_in_dim3A_29 : vector<16x1024xi1>, vector<16x1024xf32>
    %dot_general3A = arith.constant dense<0.000000e+00> : vector<512x1024xf32>
    %dot_general3A_31 = tpu.matmul %reshape3A, %select_n3A_30, %dot_general3A {dimension_numbers = #tpu.dot_dimension_numbers<[1], [0], [0], [1], [0, 0, 1, 1], [], []>, transpose_lhs_hint = false} : vector<512x16xf32>, vector<16x1024xf32>, vector<512x1024xf32> -> vector<512x1024xf32>
    %get3A_32 = arith.constant 0 : index
    %get3A_33 = arith.constant 0 : index
    %get3A_34 = vector.load %arg1[%get3A_32, %get3A_33] : memref<512x768xf32, #tpu.memory_space<vmem>>, vector<512x768xf32>
    %convert_element_type3A = arith.truncf %get3A_34 : vector<512x768xf32> to vector<512x768xbf16>
    %get3A_35 = arith.constant 0 : index
    %get3A_36 = arith.constant 0 : index
    %get3A_37 = vector.load %arg2[%get3A_35, %get3A_36] : memref<1024x768xf32, #tpu.memory_space<vmem>>, vector<1024x768xf32>
    %convert_element_type3A_38 = arith.truncf %get3A_37 : vector<1024x768xf32> to vector<1024x768xbf16>
    %dot_general3A_39 = arith.constant dense<0.000000e+00> : vector<512x1024xf32>
    %dot_general3A_40 = tpu.matmul %convert_element_type3A, %convert_element_type3A_38, %dot_general3A_39 {dimension_numbers = #tpu.dot_dimension_numbers<[1], [1], [0], [0], [0, 0, 1, 0], [], []>, transpose_lhs_hint = false} : vector<512x768xbf16>, vector<1024x768xbf16>, vector<512x1024xf32> -> vector<512x1024xf32>
    %max3A = arith.constant 0.000000e+00 : f32
    %max3A_41 = vector.broadcast %max3A : f32 to vector<512x1024xf32>
    %max3A_42 = arith.maximumf %dot_general3A_40, %max3A_41 : vector<512x1024xf32>
    %mul3A = arith.mulf %max3A_42, %dot_general3A_31 : vector<512x1024xf32>
    %get3A_43 = arith.constant 0 : index
    %get3A_44 = arith.constant 0 : index
    %get3A_45 = arith.constant 0 : index
    %get3A_46 = vector.load %arg3[%get3A_43, %get3A_44, %get3A_45] : memref<16x768x64xf32, #tpu.memory_space<vmem>>, vector<16x768x64xf32>
    %convert_element_type3A_47 = arith.truncf %get3A_46 : vector<16x768x64xf32> to vector<16x768x64xbf16>
    %transpose3A_48 = tpu.transpose %convert_element_type3A_47, [0, 2, 1] : vector<16x768x64xbf16> -> vector<16x64x768xbf16>
    %reshape3A_49 = vector.shape_cast %transpose3A_48 : vector<16x64x768xbf16> to vector<1024x768xbf16>
    %convert_element_type3A_50 = arith.truncf %mul3A : vector<512x1024xf32> to vector<512x1024xbf16>
    %dot_general3A_51 = arith.constant dense<0.000000e+00> : vector<512x768xf32>
    %dot_general3A_52 = tpu.matmul %convert_element_type3A_50, %reshape3A_49, %dot_general3A_51 {dimension_numbers = #tpu.dot_dimension_numbers<[1], [0], [0], [1], [0, 0, 1, 1], [], []>, transpose_lhs_hint = false} : vector<512x1024xbf16>, vector<1024x768xbf16>, vector<512x768xf32> -> vector<512x768xf32>
    %swap3A = arith.constant 0 : index
    %swap3A_53 = arith.constant 0 : index
    %swap3A_54 = vector.load %arg4[%swap3A, %swap3A_53] : memref<512x768xf32, #tpu.memory_space<vmem>>, vector<512x768xf32>
    tpu.vector_store %arg4[%swap3A, %swap3A_53], %dot_general3A_52 {strides = array<i32>} : memref<512x768xf32, #tpu.memory_space<vmem>>, vector<512x768xf32>,
    return
  }
}

</mosaic_0001>

<sc_bundles>
// kernel: kernel.4.cloned.1.call-start
scs
__scs_entry_jumppad:
0x0: {  	(pc) =	sbr.rel $0x88, $3  }
0x1: {  	(tag) =	ssettag $0x0;
	lr =	simm.s32 $0x1  }
0x2: {  	[smem:$0x3F9C] =	sst lr;
	_ =	strace $0xD0000000  }
0x3: {  	_ = 	snop  }
0x4: {  	_ = 	snop  }
0x5: {  	_ = 	snop  }
0x6: {  	_ = 	snop  }
0x7: {  	_ = 	snop  }
__scs_overlays_trampoline_lowered:
0x8: {  	[smem:$0x3FAB] =	sst s0  }
0x9: {  	[smem:$0x3FAC] =	sst s1  }
0xa: {  	[smem:$0x3FAD] =	sst s2  }
0xb: {  	[smem:$0x3FAE] =	sst s3  }
0xc: {  	[smem:$0x3FAF] =	sst s4  }
0xd: {  	[smem:$0x3FB0] =	sst s5  }
0xe: {  	[smem:$0x3FB1] =	sst s6  }
0xf: {  	[smem:$0x3FB2] =	sst s7  }
0x10: {  	[smem:$0x3FB3] =	sst s8  }
0x11: {  	[smem:$0x3FB4] =	sst s9;
	s0 =	simm.s32 @!p0 $0x0  }
0x12: {  	s1 =	sld [smem:$0x3F9A];
	s0 =	simm.s32 @p0 $0x1  }
0x13: {  	[smem:$0x3FB5] =	sst s0;
	s0 =	simm.s32 @!p1 $0x0  }
0x14: {  	s2 =	sld [smem:$0x3F99];
	s0 =	simm.s32 @p1 $0x1  }
0x15: {  	[smem:$0x3FB6] =	sst s0;
	s0 =	simm.s32 @!p2 $0x0  }
0x16: {  	s3 =	sld [smem:$0x3FDB];
	s0 =	simm.s32 @p2 $0x1  }
0x17: {  	s4 =	simm.s32 $0x1BF5;
	[smem:$0x3FB8] =	sst s0  }
0x18: {  	s0 =	sld [smem:$0x3F9B];
	_ =	swait.ge [sflag:s4], $0x0  }
0x19: {  	s7 =	sld [smem:$0x3F9C]  }
0x1a: {  	s8 =	sadd.s32 $0xFFFFE003, lr  }
0x1b: {  	s9 =	sadd.s32 $0xFFFFFEF7, lr;
	s5 =	simm.s32 $0xFFFFFFFF;
	p2 =	slt.u32 s8, $0xFFFFF086  }
0x1c: {  	p1 =	slt.u32 s9, $0xF7A;
	s5 =	simm.s32 @!p2 $0x0  }
0x1d: {  	s5 =	simm.s32 @p1 $0x1;
	p0 =	seq.s32 s7, s2  }
0x1e: {  	s7 =	smul.u32 @!p0 $0xF7A, s2;
	p2 =	seq.s32 @!p0 s5, $0x0  }
0x1f: {  	s9 =	smul.u32 $0xF7A, s1;
	s8 =	simm.s32 @!p0 $0x1BF5;
	p2 =	por !p2, p0  }
0x20: {  	[sflag:s8] =	ssyncset.s32 @!p0 $0xFFFFF086;
	s6 =	sadd.s32 @!p0 s3, s7;
	s7 =	simm.s32 @!p0 $0x108  }
0x21: {  	s3 =	sadd.s32 s3, s9;
	s6 =	sadd.s32 @!p0 $0x88, s6;
	s7 =	simm.s32 @p2 $0x1082  }
0x22: {  	[simem:s7], [sflag:s8] =	dma.local @!p0 [hbm:s6], $0xF7A  }
0x23: {  	s9 =	sor.u32 $0xD0000000, s2;
	s6 =	simm.s32 $0x108;
	_ =	swait.ge @!p0 [sflag:s8], $0x0  }
0x24: {  	s3 =	sadd.s32 $0x88, s3;
	s6 =	simm.s32 @!p1 $0x1082;
	[sflag:s4] =	ssyncset.s32 $0xFFFFF086  }
0x25: {  	[simem:s6], [sflag:s4] =	dma.local [hbm:s3], $0xF7A  }
0x26: {  	[smem:$0x3F9C] =	sst s1;
	(tag) =	ssettag s2;
	_ =	strace s9  }
0x27: {  	s1 =	sld [smem:$0x3FAC]  }
0x28: {  	s2 =	sld [smem:$0x3FAD]  }
0x29: {  	s4 =	sld [smem:$0x3FAF]  }
0x2a: {  	p0 =	seq.s32 s5, $0x0;
	s5 =	sld [smem:$0x3FB0]  }
0x2b: {  	s6 =	sld [smem:$0x3FB1]  }
0x2c: {  	s7 =	sld [smem:$0x3FB2]  }
0x2d: {  	s3 =	simm.s32 $0x108;
	s8 =	sld [smem:$0x3FB3]  }
0x2e: {  	s3 =	simm.s32 @!p0 $0x1082;
	s9 =	sld [smem:$0x3FB4]  }
0x2f: {  	lr =	sadd.s32 s0, s3;
	s0 =	sld [smem:$0x3FAB]  }
0x30: {  	s3 =	sld [smem:$0x3FAE]  }
0x31: {  	[smem:$0x3FB7] =	sst s10  }
0x32: {  	s10 =	sld [smem:$0x3FB5];
	_ =	sdelay $0x3  }
0x33: {  	p0 =	seq.s32 s10, $0x1;
	s10 =	sld [smem:$0x3FB7];
	_ =	sdelay $0x3  }
0x34: {  	[smem:$0x3FB7] =	sst s10  }
0x35: {  	s10 =	sld [smem:$0x3FB6];
	_ =	sdelay $0x3  }
0x36: {  	p1 =	seq.s32 s10, $0x1;
	s10 =	sld [smem:$0x3FB7];
	_ =	sdelay $0x3  }
0x37: {  	[smem:$0x3FB7] =	sst s10  }
0x38: {  	s10 =	sld [smem:$0x3FB8]  }
0x39: {  	_ = 	snop;
	(pc) =	sbr.ind lr, $3  }
0x3a: {  	_ = 	snop  }
0x3b: {  	_ = 	snop  }
0x3c: {  	p2 =	seq.s32 s10, $0x1;
	s10 =	sld [smem:$0x3FB7]  }
0x3d: {  	_ =	shalt  }
0x3e: {  	_ =	shalt  }
0x3f: {  	_ =	shalt  }
0x40: {  	_ =	shalt  }
0x41: {  	_ =	shalt  }
0x42: {  	_ =	shalt  }
0x43: {  	_ =	shalt  }
0x44: {  	_ =	shalt  }
0x45: {  	_ =	shalt  }
0x46: {  	_ =	shalt  }
0x47: {  	_ =	shalt  }
0x48: {  	_ =	shalt  }
0x49: {  	_ =	shalt  }
0x4a: {  	_ =	shalt  }
0x4b: {  	_ =	shalt  }
0x4c: {  	_ =	shalt  }
0x4d: {  	_ =	shalt  }
0x4e: {  	_ =	shalt  }
0x4f: {  	_ =	shalt  }
0x50: {  	_ =	shalt  }
0x51: {  	_ =	shalt  }
0x52: {  	_ =	shalt  }
0x53: {  	_ =	shalt  }
0x54: {  	_ =	shalt  }
0x55: {  	_ =	shalt  }
0x56: {  	_ =	shalt  }
0x57: {  	_ =	shalt  }
0x58: {  	_ =	shalt  }
0x59: {  	_ =	shalt  }
0x5a: {  	_ =	shalt  }
0x5b: {  	_ =	shalt  }
0x5c: {  	_ =	shalt  }
0x5d: {  	_ =	shalt  }
0x5e: {  	_ =	shalt  }
0x5f: {  	_ =	shalt  }
0x60: {  	_ =	shalt  }
0x61: {  	_ =	shalt  }
0x62: {  	_ =	shalt  }
0x63: {  	_ =	shalt  }
0x64: {  	_ =	shalt  }
0x65: {  	_ =	shalt  }
0x66: {  	_ =	shalt  }
0x67: {  	_ =	shalt  }
0x68: {  	_ =	shalt  }
0x69: {  	_ =	shalt  }
0x6a: {  	_ =	shalt  }
0x6b: {  	_ =	shalt  }
0x6c: {  	_ =	shalt  }
0x6d: {  	_ =	shalt  }
0x6e: {  	_ =	shalt  }
0x6f: {  	_ =	shalt  }
0x70: {  	_ =	shalt  }
0x71: {  	_ =	shalt  }
0x72: {  	_ =	shalt  }
0x73: {  	_ =	shalt  }
0x74: {  	_ =	shalt  }
0x75: {  	_ =	shalt  }
0x76: {  	_ =	shalt  }
0x77: {  	_ =	shalt  }
0x78: {  	_ =	shalt  }
0x79: {  	_ =	shalt  }
0x7a: {  	_ =	shalt  }
0x7b: {  	_ =	shalt  }
0x7c: {  	_ =	shalt  }
0x7d: {  	_ =	shalt  }
0x7e: {  	_ =	shalt  }
0x7f: {  	_ =	shalt  }
0x80: {  	_ =	shalt  }
0x81: {  	_ =	shalt  }
0x82: {  	_ =	shalt  }
0x83: {  	_ =	shalt  }
0x84: {  	_ =	shalt  }
0x85: {  	_ =	shalt  }
0x86: {  	_ =	shalt  }
0x87: {  	_ =	shalt  }
.Lfunc_end0:
.L_simem_size_0:
called_computation_lowered:
.L_overlay_start_0:
0x88: {  	s2 =	sld [smem:$0x3FD9]  }
0x89: {  	s3 =	sld [smem:$0x3FFE];
	_ =	sdelay $0x1  }
0x8a: {  	s1 =	srdreg.scid  }
0x8b: {  	s0 =	sand.u32 $0x1, s1  }
0x8c: {  	s17 =	sshll.u32 s0, $0xA;
	s2 =	sadd.s32 s3, s2  }
0x8d: {  	s2 =	sadd.s32 s2, s17  }
0x8e: {  	[smem:$0x3FC3] =	sst s2  }
0x8f: {  	_ = 	snop  }
0x90: {  	s2 =	sld [smem:$0x3FD0];
	(tm) =	ssettm $0x1  }
0x91: {  	s18 =	sld [smem:$0x3FFB];
	_ =	sdelay $0x3  }
0x92: {  	_ =	strace s18  }
0x93: {  	s3 =	sld [smem:$0x3FFC];
	_ =	sdelay $0x3  }
0x94: {  	_ =	strace s3  }
0x95: {  	s3 =	sld [smem:$0x3FFD];
	_ =	sdelay $0x3  }
0x96: {  	_ =	strace s3  }
0x97: {  	_ =	strace $0x8FFFFFFF  }
0x98: {  	s19 =	sld [smem:$0x3FDB];
	_ =	sdelay $0x1  }
0x99: {  	s4 =	simm.s32 $_scs_section_size  }
0x9a: {  	s5 =	simm.s32 $_size__tile_overlayer_lowered;
	s6 =	simm.s32 $_tile_overlayer_lowered  }
0x9b: {  	s22 =	simm.s32 $0x1BFF;
	s21 =	sshll.u32 s6, $0x1;
	s3 =	sadd.s32 s4, s19  }
0x9c: {  	s7 =	simm.s32 $0x0;
	s20 =	sshll.u32 s5, $0x1;
	s5 =	sadd.s32 s21, s3  }
0x9d: {  	[timem:s7], [sflag:s22] =	dma.local [hbm:s5], s20  }
0x9e: {  	_ =	swait.ge [sflag:s22], s20  }
0x9f: {  	s4 =	ssub.s32 $0x0, s20;
	[sflag:s22] =	ssyncset.done $0x0  }
0xa0: {  	[sflag:s22] =	ssyncadd.s32 s4;
	_ =	sdelay $0x1  }
0xa1: {  	s23 =	simm.s32 $0x1B8B  }
0xa2: {  	_ =	swait.ge [sflag:s23], $0x1  }
0xa3: {  	[sflag:s23] =	ssyncset.done $0x0  }
0xa4: {  	s25 =	simm.s32 $0x1B8E;
	s24 =	sld [smem:$0x3FFE];
	[sflag:s23] =	ssyncadd.s32 $0xFFFFFFFF  }
0xa5: {  	s26 =	simm.s32 $execute0_lowered;
	[smem:$0x3FD2] =	sst s25  }
0xa6: {  	s5 =	sshll.u32 s26, $0x1;
	_ =	strace $0x80000046;
	[dreg:$0x1] =	wrdreg $0xFFFFFFFF  }
0xa7: {  	s28 =	simm.s32 $_size_execute0_lowered;
	s3 =	sadd.s32 s3, s5;
	[dreg:$0x0] =	wrdreg $0x0  }
0xa8: {  	s5 =	sshll.u32 s28, $0x1;
	[dreg:$0x2] =	wrdreg s3  }
0xa9: {  	[dreg:$0x3] =	wrdreg s5  }
0xaa: {  	[dreg:$0x4] =	wrdreg $0xC0  }
0xab: {  	_ =	task [dreg:s7], $0x5FFFF  }
0xac: {  	[dreg:$0x1] =	wrdreg $0xFFFFFFFF  }
0xad: {  	[dreg:$0x0] =	wrdreg $0x60  }
0xae: {  	[dreg:$0x2] =	wrdreg s24  }
0xaf: {  	[dreg:$0x3] =	wrdreg s2  }
0xb0: {  	[dreg:$0x4] =	wrdreg $0x9  }
0xb1: {  	_ =	task.clear_ibuf [dreg:s7], $0x5FFFF;
	_ =	strace $0x90000046  }
0xb2: {  	s29 =	simm.s32 $0x9;
	_ =	strace $0x80000048  }
0xb3: {  	_ =	swait.ge [sflag:s29], $0x1  }
0xb4: {  	[sflag:s29] =	ssyncadd.s32 $0xFFFFFFFF  }
0xb5: {  	_ =	strace $0x90000048  }
0xb6: {  	_ =	sfence  }
0xb7: {  	s30 =	sld [smem:$0x0];
	_ =	sdelay $0x2  }
0xb8: {  	s31 =	sshll.u32 s1, $0xD;
	s1 =	sshrl.u32 s1, $0x2  }
0xb9: {  	s3 =	sand.u32 $0x4000, s31;
	s1 =	sadd.s32 s1, s30  }
0xba: {  	s0 =	sor.u32 s3, s0;
	s1 =	sshll.u32 s1, $0x11  }
0xbb: {  	s0 =	sor.u32 s1, s0  }
0xbc: {  	s0 =	sadd.s32 $0x8F2B, s0  }
0xbd: {  	[sflag:s0] =	ssyncadd.remote.s32 $0x1  }
0xbe: {  	_ =	sfence.sel $0xFFFF  }
0xbf: {  	[dreg:$0x0] =	wrdreg $0xFFFFFFFF;
	(pc) =	sbr.abs _section_cstart, $3  }
0xc0: {  	[dreg:$0x1] =	wrdreg $0xFFFFFFFF  }
0xc1: {  	_ =	task.clear_ibuf [dreg:s7], $0x2FFFF;
	_ =	strace $0x9FFFFFFF  }
0xc2: {  	(tm) =	ssettm $0x7FFFFFFF  }
0xc3: {  	_ =	shalt  }
tec
execute0_lowered:
.L_overlay_start_1:
0x0: {  	(tag) =	ssettag $0x1  }
0x1: {  	s3 =	rddreg [dreg:$0x0]  }
0x2: {  	s7 =	rddreg [dreg:$0x1]  }
0x3: {  	s2 =	srdreg.scid;
	s1 =	stileid.u32  }
0x4: {  	s0 =	rddreg [dreg:$0x2];
	s12 =	simm.s32 $0x90;
	s13 =	simm.s32 $0x100  }
0x5: {  	s4 =	sand.u32 $0x1, s2;
	s5 =	sshll.u32 s1, $0x1;
	s2 =	simm.s32 $0x0  }
0x6: {  	s6 =	sshrl.u32 s1, $0x3;
	s28 =	sadd.s32 $0xA00, s3;
	s29 =	sadd.s32 $0x800, s3  }
0x7: {  	s5 =	sor.u32 s4, s5;
	[smem:$0x7FF] =	sst s2;
	s9 =	sshll.u32 s6, $0x8  }
0x8: {  	s6 =	sshll.u32 s6, $0x9;
	s4 =	ssub.s32 $0x2, s4;
	s8 =	sshll.u32 s5, $0x4  }
0x9: {  	_ =	strace $0x80000047;
	s30 =	sshrl.u32 s4, $0x1;
	s31 =	sshll.u32 s5, $0x5  }
0xa: {  	s8 =	ssub.s32 s8, s9;
	s11 =	ssub.s32 s4, s30;
	s7 =	sadd.s32 s7, s31  }
0xb: {  	s9 =	simm.s32 $0x1;
	s6 =	sadd.s32 s6, s8;
	s8 =	smax.u32 s11, $0x1  }
0xc: {  	s11 =	simm.s32 $0x10;
	s10 =	sshrl.u32 s6, $0x3;
	s6 =	sadd.s32 $0x100, s6  }
0xd: {  	s3 =	sadd.s32 s28, s10;
	s4 =	sadd.s32 s29, s10;
	s6 =	sshrl.u32 s6, $0x3  }
0xe: {  	s10 =	simm.s32 $0x80;
	s5 =	sadd.s32 s28, s6;
	s6 =	sadd.s32 s29, s6  }
.LBB2_1:
0xf: {  	[tilespmem:s2], [sflag:$0x1] =	stream.linear.gather [hbm4b:s3+s2], $0x10, $0x38;
	[tilespmem:$0x200] =	vst v63  }
0x10: {  	_ =	swait.ge [sflag:s9], $0x10  }
0x11: {  	[sflag:s9] =	ssyncset.done $0x0  }
0x12: {  	[sflag:s9] =	ssyncadd.s32 $0xFFFFFFF0  }
0x13: {  	[tilespmem:s10], [sflag:$0x1] =	stream.linear.gather [hbm4b:s4+s2], $0x10, $0x38;
	[tilespmem:$0x200] =	vst v63  }
0x14: {  	_ =	swait.ge [sflag:s9], $0x10  }
0x15: {  	[sflag:s9] =	ssyncset.done $0x0  }
0x16: {  	[sflag:s9] =	ssyncadd.s32 $0xFFFFFFF0  }
0x17: {  	[tilespmem:s11], [sflag:$0x1] =	stream.linear.gather [hbm4b:s5+s2], $0x10, $0x38;
	[tilespmem:$0x200] =	vst v63  }
0x18: {  	_ =	swait.ge [sflag:s9], $0x10  }
0x19: {  	[sflag:s9] =	ssyncset.done $0x0  }
0x1a: {  	[sflag:s9] =	ssyncadd.s32 $0xFFFFFFF0  }
0x1b: {  	[tilespmem:s12], [sflag:$0x1] =	stream.linear.gather [hbm4b:s6+s2], $0x10, $0x38;
	[tilespmem:$0x200] =	vst v63  }
0x1c: {  	_ =	swait.ge [sflag:s9], $0x10  }
0x1d: {  	[sflag:s9] =	ssyncset.done $0x0  }
0x1e: {  	[sflag:s9] =	ssyncadd.s32 $0xFFFFFFF0  }
0x1f: {  	v0 =	vld [tilespmem:$0x0]  }
0x20: {  	v1 =	vld [tilespmem:$0x80]  }
0x21: {  	v2 =	vld [tilespmem:$0x10]  }
0x22: {  	v3 =	vld [tilespmem:$0x90]  }
0x23: {  	v4 =	vld [tilespmem:$0x0]  }
0x24: {  	v5 =	vld [tilespmem:$0x80]  }
0x25: {  	v6 =	vld [tilespmem:$0x10]  }
0x26: {  	v7 =	vld [tilespmem:$0x90]  }
0x27: {  	v8 =	vld [tilespmem:$0x0]  }
0x28: {  	v9 =	vld [tilespmem:$0x80]  }
0x29: {  	v10 =	vld [tilespmem:$0x10]  }
0x2a: {  	v11 =	vld [tilespmem:$0x90]  }
0x2b: {  	v12 =	vld [tilespmem:$0x0]  }
0x2c: {  	v13 =	vld [tilespmem:$0x80]  }
0x2d: {  	v14 =	vld [tilespmem:$0x10]  }
0x2e: {  	v15 =	vld [tilespmem:$0x90]  }
0x2f: {  	v16 =	vld [tilespmem:$0x0]  }
0x30: {  	v17 =	vld [tilespmem:$0x80]  }
0x31: {  	v18 =	vld [tilespmem:$0x10]  }
0x32: {  	v19 =	vld [tilespmem:$0x90]  }
0x33: {  	v20 =	vld [tilespmem:$0x0]  }
0x34: {  	v21 =	vld [tilespmem:$0x80]  }
0x35: {  	v22 =	vld [tilespmem:$0x10]  }
0x36: {  	v23 =	vld [tilespmem:$0x90]  }
0x37: {  	v24 =	vld [tilespmem:$0x0]  }
0x38: {  	v25 =	vld [tilespmem:$0x80]  }
0x39: {  	v26 =	vld [tilespmem:$0x10]  }
0x3a: {  	v27 =	vld [tilespmem:$0x90]  }
0x3b: {  	v28 =	vld [tilespmem:$0x0]  }
0x3c: {  	v29 =	vld [tilespmem:$0x80]  }
0x3d: {  	v30 =	vld [tilespmem:$0x10]  }
0x3e: {  	v31 =	vld [tilespmem:$0x90]  }
0x3f: {  	v32 =	vld [tilespmem:$0x0]  }
0x40: {  	v33 =	vld [tilespmem:$0x80]  }
0x41: {  	v34 =	vld [tilespmem:$0x10]  }
0x42: {  	v35 =	vld [tilespmem:$0x90]  }
0x43: {  	v36 =	vld [tilespmem:$0x0]  }
0x44: {  	v38 =	vld [tilespmem:$0x80];
	v1 =	vadd.f32 $0.0e+00, v1;
	vm0 =	veq.s32 v0, $0x0  }
0x45: {  	v40 =	vld [tilespmem:$0x10];
	vm10 =	veq.s32 v2, $0x0;
	v39 =	vadd.f32 $0.0e+00, v5;
	vm11 =	veq.s32 v4, $0x1  }
0x46: {  	v42 =	vld [tilespmem:$0x80];
	vm1 =	veq.s32 v6, $0x1;
	v41 =	vadd.f32 $0.0e+00, v9;
	vm12 =	veq.s32 v8, $0x2  }
0x47: {  	v45 =	vld [tilespmem:$0x10];
	vm13 =	veq.s32 v10, $0x2;
	v44 =	vadd.f32 $0.0e+00, v13;
	vm14 =	veq.s32 v12, $0x3  }
0x48: {  	v48 =	vld [tilespmem:$0x0];
	vm15 =	veq.s32 v14, $0x3;
	v47 =	vadd.f32 $0.0e+00, v17;
	vm4 =	veq.s32 v16, $0x4  }
0x49: {  	v49 =	vld [tilespmem:$0x80];
	vm5 =	veq.s32 v18, $0x4;
	v51 =	vadd.f32 $0.0e+00, v21;
	vm6 =	veq.s32 v20, $0x5  }
0x4a: {  	v52 =	vld [tilespmem:$0x10];
	vm7 =	veq.s32 v22, $0x5;
	v56 =	vadd.f32 $0.0e+00, v25;
	vm8 =	veq.s32 v24, $0x6  }
0x4b: {  	v61 =	vld [tilespmem:$0x10];
	vm9 =	veq.s32 v26, $0x6;
	v60 =	vadd.f32 $0.0e+00, v29;
	v0 =	vadd.f32 $0.0e+00, v38  }
0x4c: {  	v54 =	vld [tilespmem:$0x90];
	v3 =	vnsel vm10, $0x0, v3;
	v6 =	vnsel vm1, $0x0, v7;
	v10 =	vnsel vm13, $0x0, v11  }
0x4d: {  	v57 =	vld [tilespmem:$0x0];
	v46 =	vnsel vm15, $0x0, v15;
	v53 =	vnsel vm5, $0x0, v19;
	v55 =	vnsel vm7, $0x0, v23  }
0x4e: {  	v58 =	vld [tilespmem:$0x80];
	v62 =	vnsel vm9, $0x0, v27;
	vm10 =	veq.s32 v28, $0x7;
	vm13 =	veq.s32 v34, $0x8  }
0x4f: {  	v63 =	vld [tilespmem:$0x90];
	vm15 =	veq.s32 v40, $0x9;
	vm5 =	veq.s32 v45, $0xA;
	v45 =	vadd.f32 $0.0e+00, v49  }
0x50: {  	v4 =	vld [tilespmem:$0x90];
	vm7 =	veq.s32 v52, $0xB;
	vm9 =	veq.s32 v61, $0xC;
	v1 =	vnsel vm0, $0x0, v1  }
0x51: {  	v9 =	vld [tilespmem:$0x0];
	v2 =	vnsel vm11, $0x0, v39;
	v43 =	vnsel vm12, $0x0, v41;
	v7 =	vnsel vm14, $0x0, v44  }
0x52: {  	v38 =	vld [tilespmem:$0x10];
	v50 =	vnsel vm4, $0x0, v47;
	v13 =	vnsel vm6, $0x0, v51;
	v59 =	vnsel vm8, $0x0, v56  }
0x53: {  	v11 =	vld [tilespmem:$0x90];
	vm11 =	veq.s32 v30, $0x7;
	v19 =	vnsel vm10, $0x0, v60;
	v30 =	vadd.f32 $0.0e+00, v33  }
0x54: {  	v40 =	vld [tilespmem:$0x90];
	vm12 =	veq.s32 v32, $0x8;
	vm14 =	veq.s32 v36, $0x9;
	v39 =	vnsel vm13, $0x0, v35  }
0x55: {  	v52 =	vld [tilespmem:$0x80];
	vm6 =	veq.s32 v48, $0xB;
	v49 =	vnsel vm7, $0x0, v54;
	v1 =	vadd.f32 v3, v1  }
0x56: {  	v33 =	vld [tilespmem:$0x80];
	vm8 =	veq.s32 v57, $0xC;
	v2 =	vadd.f32 v6, v2;
	v6 =	vadd.f32 v10, v43  }
0x57: {  	v44 =	vld [tilespmem:$0x80];
	v56 =	vnsel vm9, $0x0, v63;
	v7 =	vadd.f32 v46, v7;
	v12 =	vadd.f32 v53, v50;
	[tilespmem:$0x100] =	vst v1  }
0x58: {  	v51 =	vld [tilespmem:$0x0];
	v13 =	vadd.f32 v55, v13;
	v29 =	vnsel vm11, $0x0, v31;
	v18 =	vadd.f32 v62, v59;
	[tilespmem:$0x110] =	vst v2  }
0x59: {  	v31 =	vld [tilespmem:$0x0];
	v0 =	vnsel vm14, $0x0, v0;
	v3 =	vadd.f32 $0.0e+00, v42;
	v50 =	vadd.f32 $0.0e+00, v58;
	[tilespmem:$0x120] =	vst v6  }
0x5a: {  	v42 =	vld [tilespmem:$0x0];
	v19 =	vadd.f32 v29, v19;
	v37 =	vnsel vm12, $0x0, v30;
	v41 =	vnsel vm15, $0x0, v4;
	[tilespmem:$0x130] =	vst v7  }
0x5b: {  	v46 =	vld [tilespmem:$0x10];
	v43 =	vadd.f32 v39, v37;
	vm4 =	veq.s32 v9, $0xA;
	[tilespmem:$0x140] =	vst v12;
	v6 =	vnsel vm6, $0x0, v45  }
0x5c: {  	v55 =	vld [tilespmem:$0x10];
	[tilespmem:$0x150] =	vst v13;
	v53 =	vnsel vm8, $0x0, v50;
	v0 =	vadd.f32 v41, v0;
	v3 =	vnsel vm4, $0x0, v3  }
0x5d: {  	v48 =	vld [tilespmem:$0x90];
	[tilespmem:$0x160] =	vst v18;
	v47 =	vnsel vm5, $0x0, v11;
	v6 =	vadd.f32 v49, v6;
	v59 =	vadd.f32 v56, v53  }
0x5e: {  	v57 =	vld [tilespmem:$0x90];
	vm11 =	veq.s32 v38, $0xD;
	[tilespmem:$0x170] =	vst v19;
	v60 =	vadd.f32 $0.0e+00, v52;
	v3 =	vadd.f32 v47, v3  }
0x5f: {  	v5 =	vnsel vm11, $0x0, v40;
	v54 =	vadd.f32 $0.0e+00, v33;
	[tilespmem:$0x180] =	vst v43;
	v1 =	vadd.f32 $0.0e+00, v44  }
0x60: {  	vm14 =	veq.s32 v51, $0xF;
	vm10 =	veq.s32 v31, $0xD;
	[tilespmem:$0x190] =	vst v0;
	vm12 =	veq.s32 v42, $0xE  }
0x61: {  	vm13 =	veq.s32 v46, $0xE;
	[tilespmem:$0x1B0] =	vst v6;
	vm15 =	veq.s32 v55, $0xF;
	v58 =	vnsel vm10, $0x0, v54  }
0x62: {  	[tilespmem:$0x1C0] =	vst v59;
	v1 =	vnsel vm12, $0x0, v1;
	v61 =	vnsel vm13, $0x0, v48;
	v2 =	vadd.f32 v5, v58  }
0x63: {  	[tilespmem:$0x1A0] =	vst v3;
	v3 =	vnsel vm14, $0x0, v60;
	v63 =	vnsel vm15, $0x0, v57;
	v62 =	vadd.f32 v61, v1  }
0x64: {  	v1 =	vadd.f32 v63, v3;
	[tilespmem:$0x1D0] =	vst v2  }
0x65: {  	p0 =	sne.s32 s8, $0x1;
	[tilespmem:$0x1E0] =	vst v62  }
.Ltmp0:
0x66: {  	[tilespmem:$0x1F0] =	vst v1;
	(pc) =	sbr.rel @p0 .LBB2_1-.Ltmp0, $4  }
0x67: {  	[hbm4b:s7+s2] =	stream.linear.scatter [tilespmem:s13], [sflag:$0x1], $0x100, $0x38;
	[tilespmem:$0x200] =	vst v63  }
0x68: {  	_ =	swait.ge [sflag:s9], $0x100  }
0x69: {  	[sflag:s9] =	ssyncset.done $0x0  }
0x6a: {  	s8 =	sadd.s32 $0xFFFFFFFF, s8;
	[sflag:s9] =	ssyncadd.s32 $0xFFFFFF00  }
0x6b: {  	_ =	sfence.sel $0x180000  }
0x6c: {  	[bflag:$0x0] =	sbarrier.arrive $0xFFFF  }
0x6d: {  	p0 =	sne.s32 s1, $0x0;
	_ =	strace $0x90000047  }
0x6e: {  	s0 =	sadd.s32 @!p0 $0x100000, s0;
	[bflag:$0x2] =	sbarrier.arrive $0xFFFF  }
0x6f: {  	[sflag:s0] =	ssyncadd.tile.s32 @!p0 $0x1;
	_ =	shalt  }
.Lfunc_end2:
_tile_overlayer_lowered:
.L_overlay_start_2:
0x70: {  	(tag) =	ssettag $0x2  }
0x71: {  	s0 =	rddreg [dreg:$0x0];
	s2 =	stileid.u32  }
0x72: {  	s1 =	rddreg [dreg:$0x1];
	p0 =	sne.s32 s2, $0x0  }
0x73: {  	s3 =	rddreg [dreg:$0x2];
	[bflag:$0x3] =	sbarrier.arrive $0xFFFF;
	s2 =	simm.s32 @!p0 $0x1C01  }
0x74: {  	[timem:s3], [sflag:s2] =	dma.local @!p0 [hbm:s0], s1  }
0x75: {  	s0 =	simm.s32 @!p0 $0x1  }
0x76: {  	_ =	swait.ge @!p0 [sflag:s0], s1  }
0x77: {  	s1 =	ssub.s32 @!p0 $0x0, s1;
	[sflag:s0] =	ssyncset.done @!p0 $0x0  }
0x78: {  	[sflag:s0] =	ssyncadd.s32 @!p0 s1  }
0x79: {  	[bflag:$0x3] =	sbarrier.arrive $0xFFFF  }
0x7a: {  	_ =	shalt  }

</sc_bundles>
